<compile_context>
chip_gen: v7x
topology: tpu7x:2x2x1
jax: 0.10.2.dev20260603
libtpu: 0.0.44.dev20260713+nightly
codegen_flags: <defaults>
</compile_context>

<pallas_src>
import functools

import jax
import jax.numpy as jnp
from jax import lax
from jax.experimental import pallas as pl
from jax.experimental.pallas import tpu as pltpu
from jax.experimental.pallas import tpu_sc as plsc

N_NODES = 10000
N_EDGES = 320000
D = 128

NC = 2
NS = 16
CHUNK = 128
NCHUNK = 79
E_PAD = NC * NS * NCHUNK * CHUNK
ACC_ROWS = 10112
SLAB = ACC_ROWS // NS

_mesh = plsc.VectorSubcoreMesh(core_axis_name="c", subcore_axis_name="s")


@functools.partial(
    pl.kernel,
    out_type=jax.ShapeDtypeStruct((NC, ACC_ROWS, D), jnp.float32),
    mesh=_mesh,
    scratch_types=[
        pltpu.VMEM((NCHUNK, CHUNK), jnp.int32),
        pltpu.VMEM((NCHUNK, CHUNK), jnp.int32),
        pltpu.VMEM((CHUNK, D), jnp.float32),
        pltpu.VMEM_SHARED((ACC_ROWS, D), jnp.float32),
        pltpu.SemaphoreType.DMA,
    ],
)
def _segment_sum(hidden, src_idx, dst_idx, out, idx_s, idx_d, rows, acc, sem):
    c = lax.axis_index("c")
    s = lax.axis_index("s")

    zero16 = jnp.zeros((16,), jnp.float32)

    def zbody(i, carry):
        for k in range(D // 16):
            rows[i, pl.ds(k * 16, 16)] = zero16
        return carry

    lax.fori_loop(0, CHUNK, zbody, 0)

    zbase = s * SLAB
    for k in range(4):
        pltpu.sync_copy(rows, acc.at[pl.ds(zbase + k * CHUNK, CHUNK)])
    rem = SLAB - 4 * CHUNK
    pltpu.sync_copy(rows.at[pl.ds(0, rem)],
                    acc.at[pl.ds(zbase + 4 * CHUNK, rem)])

    pltpu.sync_copy(src_idx.at[c, s], idx_s)
    pltpu.sync_copy(dst_idx.at[c, s], idx_d)

    plsc.subcore_barrier()

    def body(j, carry):
        pltpu.async_copy(hidden.at[idx_s.at[j]], rows, sem).wait()
        pltpu.sync_copy(rows, acc.at[idx_d.at[j]], add=True)
        return carry

    lax.fori_loop(0, NCHUNK, body, 0)

    plsc.subcore_barrier()

    wbase = s * SLAB
    pltpu.sync_copy(acc.at[pl.ds(wbase, SLAB)],
                    out.at[c, pl.ds(wbase, SLAB)])


def _mm_body(x_ref, w_ref, o_ref):
    o_ref[...] = jnp.dot(x_ref[...], w_ref[...],
                         preferred_element_type=jnp.float32)


def _matmul(x, W):
    return pl.pallas_call(
        _mm_body,
        grid=(10,),
        in_specs=[
            pl.BlockSpec((1000, D), lambda i: (i, 0)),
            pl.BlockSpec((D, D), lambda i: (0, 0)),
        ],
        out_specs=pl.BlockSpec((1000, D), lambda i: (i, 0)),
        out_shape=jax.ShapeDtypeStruct((N_NODES, D), jnp.float32),
    )(x, W)


def _mid_body(p_ref, b_ref, w_ref, o_ref):
    h = jnp.maximum(p_ref[0] + p_ref[1] + b_ref[...], 0.0)
    o_ref[...] = jnp.dot(h, w_ref[...], preferred_element_type=jnp.float32)


def _combine_matmul(p, b, W):
    return pl.pallas_call(
        _mid_body,
        grid=(10,),
        in_specs=[
            pl.BlockSpec((NC, 1000, D), lambda i: (0, i, 0)),
            pl.BlockSpec((1, D), lambda i: (0, 0)),
            pl.BlockSpec((D, D), lambda i: (0, 0)),
        ],
        out_specs=pl.BlockSpec((1000, D), lambda i: (i, 0)),
        out_shape=jax.ShapeDtypeStruct((N_NODES, D), jnp.float32),
    )(p, b.reshape(1, D), W)


def _fin_body(p_ref, b_ref, o_ref):
    o_ref[...] = jnp.maximum(p_ref[0] + p_ref[1] + b_ref[...], 0.0)


def _combine_final(p, b):
    return pl.pallas_call(
        _fin_body,
        grid=(10,),
        in_specs=[
            pl.BlockSpec((NC, 1000, D), lambda i: (0, i, 0)),
            pl.BlockSpec((1, D), lambda i: (0, 0)),
        ],
        out_specs=pl.BlockSpec((1000, D), lambda i: (i, 0)),
        out_shape=jax.ShapeDtypeStruct((N_NODES, D), jnp.float32),
    )(p, b.reshape(1, D))


def kernel(x, edge_index, W1, b1, W2, b2):
    src = edge_index[0].astype(jnp.int32)
    dst = edge_index[1].astype(jnp.int32)
    pad = E_PAD - N_EDGES
    pad_ids = jnp.arange(pad, dtype=jnp.int32)
    src_p = jnp.concatenate([src, pad_ids % N_NODES])
    dst_p = jnp.concatenate([dst, N_NODES + pad_ids % (ACC_ROWS - N_NODES)])
    src_r = src_p.reshape(NC, NS, NCHUNK, CHUNK)
    dst_r = dst_p.reshape(NC, NS, NCHUNK, CHUNK)

    h1 = _matmul(x, W1)
    p1 = _segment_sum(h1, src_r, dst_r)
    h2 = _combine_matmul(p1, b1, W2)
    p2 = _segment_sum(h2, src_r, dst_r)
    return _combine_final(p2, b2)

# --- scband reference (transcript-rebuilt; emitter-appended) ---
"""Pipeline reference for scband-gcn-8684423872899 (READ-ONLY COPY).

The authoritative reference and input builder live on the scoring server;
editing this copy changes nothing except your own understanding.
"""

import jax, jax.numpy as jnp
import numpy as np

N_NODES = 10000
N_EDGES = 320000
D_FEAT = 128
D_HID = 128


def setup_inputs(seed: int = 0) -> dict:
    key = jax.random.key(seed)
    k1, k2, k3, k4, k5, k6 = jax.random.split(key, 6)
    x = jax.random.normal(k1, (N_NODES, D_FEAT), dtype=jnp.float32)
    edge_index = jax.random.randint(k2, (2, N_EDGES), 0, N_NODES, dtype=jnp.int64)
    # GraphConvolution layer params (Xavier-like scale), dims = [128, 128, 128]
    s1 = 1.0 / np.sqrt(D_FEAT)
    s2 = 1.0 / np.sqrt(D_HID)
    W1 = jax.random.uniform(k3, (D_FEAT, D_HID), dtype=jnp.float32, minval=-s1, maxval=s1)
    b1 = jnp.zeros((D_HID,), dtype=jnp.float32)
    W2 = jax.random.uniform(k4, (D_HID, D_HID), dtype=jnp.float32, minval=-s2, maxval=s2)
    b2 = jnp.zeros((D_HID,), dtype=jnp.float32)
    return {"x": x, "edge_index": edge_index, "W1": W1, "b1": b1, "W2": W2, "b2": b2}


def _graph_conv(h, edge_index, W, b):
    # hidden = dropout(x) @ W   (dropout=0.0 -> identity)
    hidden = h @ W
    # support = spmm(adj, hidden): aggregate messages from src into dst
    src = edge_index[0]
    dst = edge_index[1]
    msgs = jnp.take(hidden, src, axis=0)
    support = jax.ops.segment_sum(msgs, dst, num_segments=N_NODES)
    # use_bias=True, act=relu
    return jax.nn.relu(support + b)


def reference(x, edge_index, W1, b1, W2, b2):
    h = _graph_conv(x, edge_index, W1, b1)
    h = _graph_conv(h, edge_index, W2, b2)
    return h

if __name__ == "__main__":
    import jax
    _d = setup_inputs()
    print(jax.jit(kernel)(*tuple(_d.values())))

</pallas_src>

<mosaic_0001>
#map = affine_map<(d0, d1) -> (0, 0)>
#map1 = affine_map<(d0, d1) -> (0, 0, 0, 0)>
#map2 = affine_map<(d0, d1) -> (0, 0, 0)>
module attributes {stable_mosaic.version = 14 : i64} {
  func.func @_segment_sum(%arg0: i32, %arg1: i32, %arg2: memref<10000x128xf32, #tpu.memory_space<hbm>>, %arg3: memref<2x16x79x128xi32, #tpu.memory_space<hbm>>, %arg4: memref<2x16x79x128xi32, #tpu.memory_space<hbm>>, %arg5: memref<2x10112x128xf32, #tpu.memory_space<hbm>>, %arg6: memref<79x128xi32, #tpu.memory_space<vmem>>, %arg7: memref<79x128xi32, #tpu.memory_space<vmem>>, %arg8: memref<128x128xf32, #tpu.memory_space<vmem>>, %arg9: memref<10112x128xf32, #tpu.memory_space<vmem_shared>>, %arg10: memref<!tpu.dma_semaphore, #tpu.memory_space<semaphore_mem>>) attributes {dimension_semantics = [#tpu.dimension_semantics<core_parallel>, #tpu.dimension_semantics<subcore_parallel>], iteration_bounds = array<i64: 2, 16>, scalar_prefetch = 0 : i64, scratch_operands = 5 : i64, tpu.core_type = #tpu.core_type<sc_vector_subcore>, window_params = [{transform_indices = #map}, {transform_indices = #map1}, {transform_indices = #map1}, {transform_indices = #map2}]} {
    %broadcast_in_dim3A = arith.constant 0.000000e+00 : f32
    %broadcast_in_dim3A_0 = vector.broadcast %broadcast_in_dim3A : f32 to vector<16xf32>
    %scan3A = arith.constant 0 : i32
    %scan3A_1 = arith.constant 0 : i32
    %scan3A_2 = arith.constant 128 : i32
    %scan3A_3 = arith.addi %scan3A_1, %scan3A_2 : i32
    %scan3A_4 = arith.constant 1 : i32
    scf.for %scan3A_25 = %scan3A_1 to %scan3A_3 step %scan3A_4  : i32 {
      %swap3A = arith.index_cast %scan3A_25 : i32 to index
      %swap3A_26 = arith.constant 0 : index
      %swap3A_27 = tpu.vector_load %arg8[%swap3A, %swap3A_26] {strides = array<i32>} : memref<128x128xf32, #tpu.memory_space<vmem>>, vector<1x16xf32>,
      %swap3A_28 = vector.shape_cast %swap3A_27 : vector<1x16xf32> to vector<16xf32>
      %swap3A_29 = vector.shape_cast %broadcast_in_dim3A_0 : vector<16xf32> to vector<1x16xf32>
      tpu.vector_store %arg8[%swap3A, %swap3A_26], %swap3A_29 {strides = array<i32>} : memref<128x128xf32, #tpu.memory_space<vmem>>, vector<1x16xf32>,
      %swap3A_30 = arith.index_cast %scan3A_25 : i32 to index
      %swap3A_31 = arith.constant 16 : index
      %swap3A_32 = tpu.vector_load %arg8[%swap3A_30, %swap3A_31] {strides = array<i32>} : memref<128x128xf32, #tpu.memory_space<vmem>>, vector<1x16xf32>,
      %swap3A_33 = vector.shape_cast %swap3A_32 : vector<1x16xf32> to vector<16xf32>
      %swap3A_34 = vector.shape_cast %broadcast_in_dim3A_0 : vector<16xf32> to vector<1x16xf32>
      tpu.vector_store %arg8[%swap3A_30, %swap3A_31], %swap3A_34 {strides = array<i32>} : memref<128x128xf32, #tpu.memory_space<vmem>>, vector<1x16xf32>,
      %swap3A_35 = arith.index_cast %scan3A_25 : i32 to index
      %swap3A_36 = arith.constant 32 : index
      %swap3A_37 = tpu.vector_load %arg8[%swap3A_35, %swap3A_36] {strides = array<i32>} : memref<128x128xf32, #tpu.memory_space<vmem>>, vector<1x16xf32>,
      %swap3A_38 = vector.shape_cast %swap3A_37 : vector<1x16xf32> to vector<16xf32>
      %swap3A_39 = vector.shape_cast %broadcast_in_dim3A_0 : vector<16xf32> to vector<1x16xf32>
      tpu.vector_store %arg8[%swap3A_35, %swap3A_36], %swap3A_39 {strides = array<i32>} : memref<128x128xf32, #tpu.memory_space<vmem>>, vector<1x16xf32>,
      %swap3A_40 = arith.index_cast %scan3A_25 : i32 to index
      %swap3A_41 = arith.constant 48 : index
      %swap3A_42 = tpu.vector_load %arg8[%swap3A_40, %swap3A_41] {strides = array<i32>} : memref<128x128xf32, #tpu.memory_space<vmem>>, vector<1x16xf32>,
      %swap3A_43 = vector.shape_cast %swap3A_42 : vector<1x16xf32> to vector<16xf32>
      %swap3A_44 = vector.shape_cast %broadcast_in_dim3A_0 : vector<16xf32> to vector<1x16xf32>
      tpu.vector_store %arg8[%swap3A_40, %swap3A_41], %swap3A_44 {strides = array<i32>} : memref<128x128xf32, #tpu.memory_space<vmem>>, vector<1x16xf32>,
      %swap3A_45 = arith.index_cast %scan3A_25 : i32 to index
      %swap3A_46 = arith.constant 64 : index
      %swap3A_47 = tpu.vector_load %arg8[%swap3A_45, %swap3A_46] {strides = array<i32>} : memref<128x128xf32, #tpu.memory_space<vmem>>, vector<1x16xf32>,
      %swap3A_48 = vector.shape_cast %swap3A_47 : vector<1x16xf32> to vector<16xf32>
      %swap3A_49 = vector.shape_cast %broadcast_in_dim3A_0 : vector<16xf32> to vector<1x16xf32>
      tpu.vector_store %arg8[%swap3A_45, %swap3A_46], %swap3A_49 {strides = array<i32>} : memref<128x128xf32, #tpu.memory_space<vmem>>, vector<1x16xf32>,
      %swap3A_50 = arith.index_cast %scan3A_25 : i32 to index
      %swap3A_51 = arith.constant 80 : index
      %swap3A_52 = tpu.vector_load %arg8[%swap3A_50, %swap3A_51] {strides = array<i32>} : memref<128x128xf32, #tpu.memory_space<vmem>>, vector<1x16xf32>,
      %swap3A_53 = vector.shape_cast %swap3A_52 : vector<1x16xf32> to vector<16xf32>
      %swap3A_54 = vector.shape_cast %broadcast_in_dim3A_0 : vector<16xf32> to vector<1x16xf32>
      tpu.vector_store %arg8[%swap3A_50, %swap3A_51], %swap3A_54 {strides = array<i32>} : memref<128x128xf32, #tpu.memory_space<vmem>>, vector<1x16xf32>,
      %swap3A_55 = arith.index_cast %scan3A_25 : i32 to index
      %swap3A_56 = arith.constant 96 : index
      %swap3A_57 = tpu.vector_load %arg8[%swap3A_55, %swap3A_56] {strides = array<i32>} : memref<128x128xf32, #tpu.memory_space<vmem>>, vector<1x16xf32>,
      %swap3A_58 = vector.shape_cast %swap3A_57 : vector<1x16xf32> to vector<16xf32>
      %swap3A_59 = vector.shape_cast %broadcast_in_dim3A_0 : vector<16xf32> to vector<1x16xf32>
      tpu.vector_store %arg8[%swap3A_55, %swap3A_56], %swap3A_59 {strides = array<i32>} : memref<128x128xf32, #tpu.memory_space<vmem>>, vector<1x16xf32>,
      %swap3A_60 = arith.index_cast %scan3A_25 : i32 to index
      %swap3A_61 = arith.constant 112 : index
      %swap3A_62 = tpu.vector_load %arg8[%swap3A_60, %swap3A_61] {strides = array<i32>} : memref<128x128xf32, #tpu.memory_space<vmem>>, vector<1x16xf32>,
      %swap3A_63 = vector.shape_cast %swap3A_62 : vector<1x16xf32> to vector<16xf32>
      %swap3A_64 = vector.shape_cast %broadcast_in_dim3A_0 : vector<16xf32> to vector<1x16xf32>
      tpu.vector_store %arg8[%swap3A_60, %swap3A_61], %swap3A_64 {strides = array<i32>} : memref<128x128xf32, #tpu.memory_space<vmem>>, vector<1x16xf32>,
    }
    %scan3A_5 = arith.constant 128 : i32
    %mul3A = arith.constant 632 : i32
    %mul3A_6 = arith.muli %arg1, %mul3A : i32
    %add3A = arith.constant 0 : i32
    %add3A_7 = arith.addi %mul3A_6, %add3A : i32
    "tpu.region"() ({
      %run_scoped3A = tpu.sem_alloc : memref<!tpu.dma_semaphore, #tpu.memory_space<semaphore_mem>>
      %dma_start3A = arith.constant 0 : i32
      %dma_start3A_25 = tpu.memref_slice %arg9[%add3A_7, %dma_start3A] : memref<10112x128xf32, #tpu.memory_space<vmem_shared>> -> memref<128x128xf32, #tpu.memory_space<vmem_shared>>
      %dma_start3A_26 = arith.constant 0 : i32
      %dma_start3A_27 = tpu.memref_slice %arg9[%add3A_7, %dma_start3A_26] : memref<10112x128xf32, #tpu.memory_space<vmem_shared>> -> memref<128x128xf32, #tpu.memory_space<vmem_shared>>
      tpu.enqueue_dma source(%arg8 : memref<128x128xf32, #tpu.memory_space<vmem>>) target(%dma_start3A_27 : memref<128x128xf32, #tpu.memory_space<vmem_shared>>) target_semaphore(%run_scoped3A : memref<!tpu.dma_semaphore, #tpu.memory_space<semaphore_mem>>)
      %dma_wait3A = arith.constant 0 : i32
      %dma_wait3A_28 = tpu.memref_slice %arg9[%add3A_7, %dma_wait3A] : memref<10112x128xf32, #tpu.memory_space<vmem_shared>> -> memref<128x128xf32, #tpu.memory_space<vmem_shared>>
      %dma_wait3A_29 = arith.constant 0 : i32
      %dma_wait3A_30 = tpu.memref_slice %arg9[%add3A_7, %dma_wait3A_29] : memref<10112x128xf32, #tpu.memory_space<vmem_shared>> -> memref<128x128xf32, #tpu.memory_space<vmem_shared>>
      tpu.wait_dma2 semaphore(%run_scoped3A : memref<!tpu.dma_semaphore, #tpu.memory_space<semaphore_mem>>) src(%arg8 : memref<128x128xf32, #tpu.memory_space<vmem>>) dst(%dma_wait3A_30 : memref<128x128xf32, #tpu.memory_space<vmem_shared>>)
      tpu.yield
    }) : () -> ()
    %add3A_8 = arith.constant 128 : i32
    %add3A_9 = arith.addi %mul3A_6, %add3A_8 : i32
    "tpu.region"() ({
      %run_scoped3A = tpu.sem_alloc : memref<!tpu.dma_semaphore, #tpu.memory_space<semaphore_mem>>
      %dma_start3A = arith.constant 0 : i32
      %dma_start3A_25 = tpu.memref_slice %arg9[%add3A_9, %dma_start3A] : memref<10112x128xf32, #tpu.memory_space<vmem_shared>> -> memref<128x128xf32, #tpu.memory_space<vmem_shared>>
      %dma_start3A_26 = arith.constant 0 : i32
      %dma_start3A_27 = tpu.memref_slice %arg9[%add3A_9, %dma_start3A_26] : memref<10112x128xf32, #tpu.memory_space<vmem_shared>> -> memref<128x128xf32, #tpu.memory_space<vmem_shared>>
      tpu.enqueue_dma source(%arg8 : memref<128x128xf32, #tpu.memory_space<vmem>>) target(%dma_start3A_27 : memref<128x128xf32, #tpu.memory_space<vmem_shared>>) target_semaphore(%run_scoped3A : memref<!tpu.dma_semaphore, #tpu.memory_space<semaphore_mem>>)
      %dma_wait3A = arith.constant 0 : i32
      %dma_wait3A_28 = tpu.memref_slice %arg9[%add3A_9, %dma_wait3A] : memref<10112x128xf32, #tpu.memory_space<vmem_shared>> -> memref<128x128xf32, #tpu.memory_space<vmem_shared>>
      %dma_wait3A_29 = arith.constant 0 : i32
      %dma_wait3A_30 = tpu.memref_slice %arg9[%add3A_9, %dma_wait3A_29] : memref<10112x128xf32, #tpu.memory_space<vmem_shared>> -> memref<128x128xf32, #tpu.memory_space<vmem_shared>>
      tpu.wait_dma2 semaphore(%run_scoped3A : memref<!tpu.dma_semaphore, #tpu.memory_space<semaphore_mem>>) src(%arg8 : memref<128x128xf32, #tpu.memory_space<vmem>>) dst(%dma_wait3A_30 : memref<128x128xf32, #tpu.memory_space<vmem_shared>>)
      tpu.yield
    }) : () -> ()
    %add3A_10 = arith.constant 256 : i32
    %add3A_11 = arith.addi %mul3A_6, %add3A_10 : i32
    "tpu.region"() ({
      %run_scoped3A = tpu.sem_alloc : memref<!tpu.dma_semaphore, #tpu.memory_space<semaphore_mem>>
      %dma_start3A = arith.constant 0 : i32
      %dma_start3A_25 = tpu.memref_slice %arg9[%add3A_11, %dma_start3A] : memref<10112x128xf32, #tpu.memory_space<vmem_shared>> -> memref<128x128xf32, #tpu.memory_space<vmem_shared>>
      %dma_start3A_26 = arith.constant 0 : i32
      %dma_start3A_27 = tpu.memref_slice %arg9[%add3A_11, %dma_start3A_26] : memref<10112x128xf32, #tpu.memory_space<vmem_shared>> -> memref<128x128xf32, #tpu.memory_space<vmem_shared>>
      tpu.enqueue_dma source(%arg8 : memref<128x128xf32, #tpu.memory_space<vmem>>) target(%dma_start3A_27 : memref<128x128xf32, #tpu.memory_space<vmem_shared>>) target_semaphore(%run_scoped3A : memref<!tpu.dma_semaphore, #tpu.memory_space<semaphore_mem>>)
      %dma_wait3A = arith.constant 0 : i32
      %dma_wait3A_28 = tpu.memref_slice %arg9[%add3A_11, %dma_wait3A] : memref<10112x128xf32, #tpu.memory_space<vmem_shared>> -> memref<128x128xf32, #tpu.memory_space<vmem_shared>>
      %dma_wait3A_29 = arith.constant 0 : i32
      %dma_wait3A_30 = tpu.memref_slice %arg9[%add3A_11, %dma_wait3A_29] : memref<10112x128xf32, #tpu.memory_space<vmem_shared>> -> memref<128x128xf32, #tpu.memory_space<vmem_shared>>
      tpu.wait_dma2 semaphore(%run_scoped3A : memref<!tpu.dma_semaphore, #tpu.memory_space<semaphore_mem>>) src(%arg8 : memref<128x128xf32, #tpu.memory_space<vmem>>) dst(%dma_wait3A_30 : memref<128x128xf32, #tpu.memory_space<vmem_shared>>)
      tpu.yield
    }) : () -> ()
    %add3A_12 = arith.constant 384 : i32
    %add3A_13 = arith.addi %mul3A_6, %add3A_12 : i32
    "tpu.region"() ({
      %run_scoped3A = tpu.sem_alloc : memref<!tpu.dma_semaphore, #tpu.memory_space<semaphore_mem>>
      %dma_start3A = arith.constant 0 : i32
      %dma_start3A_25 = tpu.memref_slice %arg9[%add3A_13, %dma_start3A] : memref<10112x128xf32, #tpu.memory_space<vmem_shared>> -> memref<128x128xf32, #tpu.memory_space<vmem_shared>>
      %dma_start3A_26 = arith.constant 0 : i32
      %dma_start3A_27 = tpu.memref_slice %arg9[%add3A_13, %dma_start3A_26] : memref<10112x128xf32, #tpu.memory_space<vmem_shared>> -> memref<128x128xf32, #tpu.memory_space<vmem_shared>>
      tpu.enqueue_dma source(%arg8 : memref<128x128xf32, #tpu.memory_space<vmem>>) target(%dma_start3A_27 : memref<128x128xf32, #tpu.memory_space<vmem_shared>>) target_semaphore(%run_scoped3A : memref<!tpu.dma_semaphore, #tpu.memory_space<semaphore_mem>>)
      %dma_wait3A = arith.constant 0 : i32
      %dma_wait3A_28 = tpu.memref_slice %arg9[%add3A_13, %dma_wait3A] : memref<10112x128xf32, #tpu.memory_space<vmem_shared>> -> memref<128x128xf32, #tpu.memory_space<vmem_shared>>
      %dma_wait3A_29 = arith.constant 0 : i32
      %dma_wait3A_30 = tpu.memref_slice %arg9[%add3A_13, %dma_wait3A_29] : memref<10112x128xf32, #tpu.memory_space<vmem_shared>> -> memref<128x128xf32, #tpu.memory_space<vmem_shared>>
      tpu.wait_dma2 semaphore(%run_scoped3A : memref<!tpu.dma_semaphore, #tpu.memory_space<semaphore_mem>>) src(%arg8 : memref<128x128xf32, #tpu.memory_space<vmem>>) dst(%dma_wait3A_30 : memref<128x128xf32, #tpu.memory_space<vmem_shared>>)
      tpu.yield
    }) : () -> ()
    %add3A_14 = arith.constant 512 : i32
    %add3A_15 = arith.addi %mul3A_6, %add3A_14 : i32
    "tpu.region"() ({
      %run_scoped3A = tpu.sem_alloc : memref<!tpu.dma_semaphore, #tpu.memory_space<semaphore_mem>>
      %dma_start3A = arith.constant 0 : i32
      %dma_start3A_25 = arith.constant 0 : i32
      %dma_start3A_26 = tpu.memref_slice %arg8[%dma_start3A, %dma_start3A_25] : memref<128x128xf32, #tpu.memory_space<vmem>> -> memref<120x128xf32, #tpu.memory_space<vmem>>
      %dma_start3A_27 = arith.constant 0 : i32
      %dma_start3A_28 = tpu.memref_slice %arg9[%add3A_15, %dma_start3A_27] : memref<10112x128xf32, #tpu.memory_space<vmem_shared>> -> memref<120x128xf32, #tpu.memory_space<vmem_shared>>
      %dma_start3A_29 = arith.constant 0 : i32
      %dma_start3A_30 = tpu.memref_slice %arg9[%add3A_15, %dma_start3A_29] : memref<10112x128xf32, #tpu.memory_space<vmem_shared>> -> memref<120x128xf32, #tpu.memory_space<vmem_shared>>
      %dma_start3A_31 = arith.constant 0 : i32
      %dma_start3A_32 = arith.constant 0 : i32
      %dma_start3A_33 = tpu.memref_slice %arg8[%dma_start3A_31, %dma_start3A_32] : memref<128x128xf32, #tpu.memory_space<vmem>> -> memref<120x128xf32, #tpu.memory_space<vmem>>
      tpu.enqueue_dma source(%dma_start3A_33 : memref<120x128xf32, #tpu.memory_space<vmem>>) target(%dma_start3A_30 : memref<120x128xf32, #tpu.memory_space<vmem_shared>>) target_semaphore(%run_scoped3A : memref<!tpu.dma_semaphore, #tpu.memory_space<semaphore_mem>>)
      %dma_wait3A = arith.constant 0 : i32
      %dma_wait3A_34 = arith.constant 0 : i32
      %dma_wait3A_35 = tpu.memref_slice %arg8[%dma_wait3A, %dma_wait3A_34] : memref<128x128xf32, #tpu.memory_space<vmem>> -> memref<120x128xf32, #tpu.memory_space<vmem>>
      %dma_wait3A_36 = arith.constant 0 : i32
      %dma_wait3A_37 = tpu.memref_slice %arg9[%add3A_15, %dma_wait3A_36] : memref<10112x128xf32, #tpu.memory_space<vmem_shared>> -> memref<120x128xf32, #tpu.memory_space<vmem_shared>>
      %dma_wait3A_38 = arith.constant 0 : i32
      %dma_wait3A_39 = tpu.memref_slice %arg9[%add3A_15, %dma_wait3A_38] : memref<10112x128xf32, #tpu.memory_space<vmem_shared>> -> memref<120x128xf32, #tpu.memory_space<vmem_shared>>
      %dma_wait3A_40 = arith.constant 0 : i32
      %dma_wait3A_41 = arith.constant 0 : i32
      %dma_wait3A_42 = tpu.memref_slice %arg8[%dma_wait3A_40, %dma_wait3A_41] : memref<128x128xf32, #tpu.memory_space<vmem>> -> memref<120x128xf32, #tpu.memory_space<vmem>>
      tpu.wait_dma2 semaphore(%run_scoped3A : memref<!tpu.dma_semaphore, #tpu.memory_space<semaphore_mem>>) src(%dma_wait3A_42 : memref<120x128xf32, #tpu.memory_space<vmem>>) dst(%dma_wait3A_39 : memref<120x128xf32, #tpu.memory_space<vmem_shared>>)
      tpu.yield
    }) : () -> ()
    "tpu.region"() ({
      %run_scoped3A = tpu.sem_alloc : memref<!tpu.dma_semaphore, #tpu.memory_space<semaphore_mem>>
      %dma_start3A = arith.constant 0 : i32
      %dma_start3A_25 = arith.constant 0 : i32
      %dma_start3A_26 = tpu.memref_slice %arg3[%arg0, %arg1, %dma_start3A, %dma_start3A_25] : memref<2x16x79x128xi32, #tpu.memory_space<hbm>> -> memref<1x1x79x128xi32, #tpu.memory_space<hbm>>
      %dma_start3A_27 = tpu.memref_squeeze %dma_start3A_26 : memref<1x1x79x128xi32, #tpu.memory_space<hbm>> -> memref<79x128xi32, #tpu.memory_space<hbm>>
      %dma_start3A_28 = arith.constant 0 : i32
      %dma_start3A_29 = arith.constant 0 : i32
      %dma_start3A_30 = tpu.memref_slice %arg3[%arg0, %arg1, %dma_start3A_28, %dma_start3A_29] : memref<2x16x79x128xi32, #tpu.memory_space<hbm>> -> memref<1x1x79x128xi32, #tpu.memory_space<hbm>>
      %dma_start3A_31 = tpu.memref_squeeze %dma_start3A_30 : memref<1x1x79x128xi32, #tpu.memory_space<hbm>> -> memref<79x128xi32, #tpu.memory_space<hbm>>
      tpu.enqueue_dma source(%dma_start3A_31 : memref<79x128xi32, #tpu.memory_space<hbm>>) target(%arg6 : memref<79x128xi32, #tpu.memory_space<vmem>>) target_semaphore(%run_scoped3A : memref<!tpu.dma_semaphore, #tpu.memory_space<semaphore_mem>>)
      %dma_wait3A = arith.constant 0 : i32
      %dma_wait3A_32 = arith.constant 0 : i32
      %dma_wait3A_33 = tpu.memref_slice %arg3[%arg0, %arg1, %dma_wait3A, %dma_wait3A_32] : memref<2x16x79x128xi32, #tpu.memory_space<hbm>> -> memref<1x1x79x128xi32, #tpu.memory_space<hbm>>
      %dma_wait3A_34 = tpu.memref_squeeze %dma_wait3A_33 : memref<1x1x79x128xi32, #tpu.memory_space<hbm>> -> memref<79x128xi32, #tpu.memory_space<hbm>>
      %dma_wait3A_35 = arith.constant 0 : i32
      %dma_wait3A_36 = arith.constant 0 : i32
      %dma_wait3A_37 = tpu.memref_slice %arg3[%arg0, %arg1, %dma_wait3A_35, %dma_wait3A_36] : memref<2x16x79x128xi32, #tpu.memory_space<hbm>> -> memref<1x1x79x128xi32, #tpu.memory_space<hbm>>
      %dma_wait3A_38 = tpu.memref_squeeze %dma_wait3A_37 : memref<1x1x79x128xi32, #tpu.memory_space<hbm>> -> memref<79x128xi32, #tpu.memory_space<hbm>>
      tpu.wait_dma2 semaphore(%run_scoped3A : memref<!tpu.dma_semaphore, #tpu.memory_space<semaphore_mem>>) src(%dma_wait3A_38 : memref<79x128xi32, #tpu.memory_space<hbm>>) dst(%arg6 : memref<79x128xi32, #tpu.memory_space<vmem>>)
      tpu.yield
    }) : () -> ()
    "tpu.region"() ({
      %run_scoped3A = tpu.sem_alloc : memref<!tpu.dma_semaphore, #tpu.memory_space<semaphore_mem>>
      %dma_start3A = arith.constant 0 : i32
      %dma_start3A_25 = arith.constant 0 : i32
      %dma_start3A_26 = tpu.memref_slice %arg4[%arg0, %arg1, %dma_start3A, %dma_start3A_25] : memref<2x16x79x128xi32, #tpu.memory_space<hbm>> -> memref<1x1x79x128xi32, #tpu.memory_space<hbm>>
      %dma_start3A_27 = tpu.memref_squeeze %dma_start3A_26 : memref<1x1x79x128xi32, #tpu.memory_space<hbm>> -> memref<79x128xi32, #tpu.memory_space<hbm>>
      %dma_start3A_28 = arith.constant 0 : i32
      %dma_start3A_29 = arith.constant 0 : i32
      %dma_start3A_30 = tpu.memref_slice %arg4[%arg0, %arg1, %dma_start3A_28, %dma_start3A_29] : memref<2x16x79x128xi32, #tpu.memory_space<hbm>> -> memref<1x1x79x128xi32, #tpu.memory_space<hbm>>
      %dma_start3A_31 = tpu.memref_squeeze %dma_start3A_30 : memref<1x1x79x128xi32, #tpu.memory_space<hbm>> -> memref<79x128xi32, #tpu.memory_space<hbm>>
      tpu.enqueue_dma source(%dma_start3A_31 : memref<79x128xi32, #tpu.memory_space<hbm>>) target(%arg7 : memref<79x128xi32, #tpu.memory_space<vmem>>) target_semaphore(%run_scoped3A : memref<!tpu.dma_semaphore, #tpu.memory_space<semaphore_mem>>)
      %dma_wait3A = arith.constant 0 : i32
      %dma_wait3A_32 = arith.constant 0 : i32
      %dma_wait3A_33 = tpu.memref_slice %arg4[%arg0, %arg1, %dma_wait3A, %dma_wait3A_32] : memref<2x16x79x128xi32, #tpu.memory_space<hbm>> -> memref<1x1x79x128xi32, #tpu.memory_space<hbm>>
      %dma_wait3A_34 = tpu.memref_squeeze %dma_wait3A_33 : memref<1x1x79x128xi32, #tpu.memory_space<hbm>> -> memref<79x128xi32, #tpu.memory_space<hbm>>
      %dma_wait3A_35 = arith.constant 0 : i32
      %dma_wait3A_36 = arith.constant 0 : i32
      %dma_wait3A_37 = tpu.memref_slice %arg4[%arg0, %arg1, %dma_wait3A_35, %dma_wait3A_36] : memref<2x16x79x128xi32, #tpu.memory_space<hbm>> -> memref<1x1x79x128xi32, #tpu.memory_space<hbm>>
      %dma_wait3A_38 = tpu.memref_squeeze %dma_wait3A_37 : memref<1x1x79x128xi32, #tpu.memory_space<hbm>> -> memref<79x128xi32, #tpu.memory_space<hbm>>
      tpu.wait_dma2 semaphore(%run_scoped3A : memref<!tpu.dma_semaphore, #tpu.memory_space<semaphore_mem>>) src(%dma_wait3A_38 : memref<79x128xi32, #tpu.memory_space<hbm>>) dst(%arg7 : memref<79x128xi32, #tpu.memory_space<vmem>>)
      tpu.yield
    }) : () -> ()
    %barrier3A = arith.constant 0 : index
    tpu.barrier barrier_id(%barrier3A)
    %scan3A_16 = arith.constant 0 : i32
    %scan3A_17 = arith.constant 0 : i32
    %scan3A_18 = arith.constant 79 : i32
    %scan3A_19 = arith.addi %scan3A_17, %scan3A_18 : i32
    %scan3A_20 = arith.constant 1 : i32
    scf.for %scan3A_25 = %scan3A_17 to %scan3A_19 step %scan3A_20  : i32 {
      %dma_start3A = arith.constant 0 : i32
      %dma_start3A_26 = tpu.memref_slice %arg6[%scan3A_25, %dma_start3A] : memref<79x128xi32, #tpu.memory_space<vmem>> -> memref<1x128xi32, #tpu.memory_space<vmem>>
      %dma_start3A_27 = tpu.memref_squeeze %dma_start3A_26 : memref<1x128xi32, #tpu.memory_space<vmem>> -> memref<128xi32, #tpu.memory_space<vmem>>
      %dma_start3A_28 = arith.constant 0 : i32
      %dma_start3A_29 = arith.constant 0 : i32
      %dma_start3A_30 = tpu.memref_slice %arg2[%dma_start3A_28, %dma_start3A_29] : memref<10000x128xf32, #tpu.memory_space<hbm>> -> memref<10000x128xf32, #tpu.memory_space<hbm>>
      tpu.enqueue_indirect_dma source(%dma_start3A_30 : memref<10000x128xf32, #tpu.memory_space<hbm>>) target(%arg8 : memref<128x128xf32, #tpu.memory_space<vmem>>) offsets(%dma_start3A_27 : memref<128xi32, #tpu.memory_space<vmem>>) semaphore(%arg10 : memref<!tpu.dma_semaphore, #tpu.memory_space<semaphore_mem>>)
      %dma_wait3A = arith.constant 0 : i32
      %dma_wait3A_31 = tpu.memref_slice %arg6[%scan3A_25, %dma_wait3A] : memref<79x128xi32, #tpu.memory_space<vmem>> -> memref<1x128xi32, #tpu.memory_space<vmem>>
      %dma_wait3A_32 = tpu.memref_squeeze %dma_wait3A_31 : memref<1x128xi32, #tpu.memory_space<vmem>> -> memref<128xi32, #tpu.memory_space<vmem>>
      %dma_wait3A_33 = arith.constant 0 : i32
      %dma_wait3A_34 = arith.constant 0 : i32
      %dma_wait3A_35 = tpu.memref_slice %arg2[%dma_wait3A_33, %dma_wait3A_34] : memref<10000x128xf32, #tpu.memory_space<hbm>> -> memref<10000x128xf32, #tpu.memory_space<hbm>>
      tpu.wait_indirect_dma semaphore(%arg10 : memref<!tpu.dma_semaphore, #tpu.memory_space<semaphore_mem>>) src(%dma_wait3A_35 : memref<10000x128xf32, #tpu.memory_space<hbm>>) dst(%arg8 : memref<128x128xf32, #tpu.memory_space<vmem>>)
      "tpu.region"() ({
        %run_scoped3A = tpu.sem_alloc : memref<!tpu.dma_semaphore, #tpu.memory_space<semaphore_mem>>
        %dma_start3A_36 = arith.constant 0 : i32
        %dma_start3A_37 = tpu.memref_slice %arg7[%scan3A_25, %dma_start3A_36] : memref<79x128xi32, #tpu.memory_space<vmem>> -> memref<1x128xi32, #tpu.memory_space<vmem>>
        %dma_start3A_38 = tpu.memref_squeeze %dma_start3A_37 : memref<1x128xi32, #tpu.memory_space<vmem>> -> memref<128xi32, #tpu.memory_space<vmem>>
        %dma_start3A_39 = arith.constant 0 : i32
        %dma_start3A_40 = arith.constant 0 : i32
        %dma_start3A_41 = tpu.memref_slice %arg9[%dma_start3A_39, %dma_start3A_40] : memref<10112x128xf32, #tpu.memory_space<vmem_shared>> -> memref<10112x128xf32, #tpu.memory_space<vmem_shared>>
        tpu.enqueue_indirect_dma source(%arg8 : memref<128x128xf32, #tpu.memory_space<vmem>>) target(%dma_start3A_41 : memref<10112x128xf32, #tpu.memory_space<vmem_shared>>) offsets(%dma_start3A_38 : memref<128xi32, #tpu.memory_space<vmem>>) semaphore(%run_scoped3A : memref<!tpu.dma_semaphore, #tpu.memory_space<semaphore_mem>>) {add = true}
        %dma_wait3A_42 = arith.constant 0 : i32
        %dma_wait3A_43 = tpu.memref_slice %arg7[%scan3A_25, %dma_wait3A_42] : memref<79x128xi32, #tpu.memory_space<vmem>> -> memref<1x128xi32, #tpu.memory_space<vmem>>
        %dma_wait3A_44 = tpu.memref_squeeze %dma_wait3A_43 : memref<1x128xi32, #tpu.memory_space<vmem>> -> memref<128xi32, #tpu.memory_space<vmem>>
        %dma_wait3A_45 = arith.constant 0 : i32
        %dma_wait3A_46 = arith.constant 0 : i32
        %dma_wait3A_47 = tpu.memref_slice %arg9[%dma_wait3A_45, %dma_wait3A_46] : memref<10112x128xf32, #tpu.memory_space<vmem_shared>> -> memref<10112x128xf32, #tpu.memory_space<vmem_shared>>
        tpu.wait_indirect_dma semaphore(%run_scoped3A : memref<!tpu.dma_semaphore, #tpu.memory_space<semaphore_mem>>) src(%arg8 : memref<128x128xf32, #tpu.memory_space<vmem>>) dst(%dma_wait3A_47 : memref<10112x128xf32, #tpu.memory_space<vmem_shared>>)
        tpu.yield
      }) : () -> ()
    }
    %scan3A_21 = arith.constant 79 : i32
    %barrier3A_22 = arith.constant 0 : index
    tpu.barrier barrier_id(%barrier3A_22)
    %mul3A_23 = arith.constant 632 : i32
    %mul3A_24 = arith.muli %arg1, %mul3A_23 : i32
    "tpu.region"() ({
      %run_scoped3A = tpu.sem_alloc : memref<!tpu.dma_semaphore, #tpu.memory_space<semaphore_mem>>
      %dma_start3A = arith.constant 0 : i32
      %dma_start3A_25 = tpu.memref_slice %arg5[%arg0, %mul3A_24, %dma_start3A] : memref<2x10112x128xf32, #tpu.memory_space<hbm>> -> memref<1x632x128xf32, #tpu.memory_space<hbm>>
      %dma_start3A_26 = tpu.memref_squeeze %dma_start3A_25 : memref<1x632x128xf32, #tpu.memory_space<hbm>> -> memref<632x128xf32, #tpu.memory_space<hbm>>
      %dma_start3A_27 = arith.constant 0 : i32
      %dma_start3A_28 = tpu.memref_slice %arg9[%mul3A_24, %dma_start3A_27] : memref<10112x128xf32, #tpu.memory_space<vmem_shared>> -> memref<632x128xf32, #tpu.memory_space<vmem_shared>>
      tpu.enqueue_dma source(%dma_start3A_28 : memref<632x128xf32, #tpu.memory_space<vmem_shared>>) target(%dma_start3A_26 : memref<632x128xf32, #tpu.memory_space<hbm>>) target_semaphore(%run_scoped3A : memref<!tpu.dma_semaphore, #tpu.memory_space<semaphore_mem>>)
      %dma_wait3A = arith.constant 0 : i32
      %dma_wait3A_29 = tpu.memref_slice %arg5[%arg0, %mul3A_24, %dma_wait3A] : memref<2x10112x128xf32, #tpu.memory_space<hbm>> -> memref<1x632x128xf32, #tpu.memory_space<hbm>>
      %dma_wait3A_30 = tpu.memref_squeeze %dma_wait3A_29 : memref<1x632x128xf32, #tpu.memory_space<hbm>> -> memref<632x128xf32, #tpu.memory_space<hbm>>
      %dma_wait3A_31 = arith.constant 0 : i32
      %dma_wait3A_32 = tpu.memref_slice %arg9[%mul3A_24, %dma_wait3A_31] : memref<10112x128xf32, #tpu.memory_space<vmem_shared>> -> memref<632x128xf32, #tpu.memory_space<vmem_shared>>
      tpu.wait_dma2 semaphore(%run_scoped3A : memref<!tpu.dma_semaphore, #tpu.memory_space<semaphore_mem>>) src(%dma_wait3A_32 : memref<632x128xf32, #tpu.memory_space<vmem_shared>>) dst(%dma_wait3A_30 : memref<632x128xf32, #tpu.memory_space<hbm>>)
      tpu.yield
    }) : () -> ()
    return
  }
}

#map = affine_map<(d0, d1) -> (0, 0)>
#map1 = affine_map<(d0, d1) -> (0, 0, 0, 0)>
#map2 = affine_map<(d0, d1) -> (0, 0, 0)>
module attributes {stable_mosaic.version = 14 : i64} {
  func.func @_segment_sum(%arg0: i32, %arg1: i32, %arg2: memref<10000x128xf32, #tpu.memory_space<hbm>>, %arg3: memref<2x16x79x128xi32, #tpu.memory_space<hbm>>, %arg4: memref<2x16x79x128xi32, #tpu.memory_space<hbm>>, %arg5: memref<2x10112x128xf32, #tpu.memory_space<hbm>>, %arg6: memref<79x128xi32, #tpu.memory_space<vmem>>, %arg7: memref<79x128xi32, #tpu.memory_space<vmem>>, %arg8: memref<128x128xf32, #tpu.memory_space<vmem>>, %arg9: memref<10112x128xf32, #tpu.memory_space<vmem_shared>>, %arg10: memref<!tpu.dma_semaphore, #tpu.memory_space<semaphore_mem>>) attributes {dimension_semantics = [#tpu.dimension_semantics<core_parallel>, #tpu.dimension_semantics<subcore_parallel>], iteration_bounds = array<i64: 2, 16>, scalar_prefetch = 0 : i64, scratch_operands = 5 : i64, tpu.core_type = #tpu.core_type<sc_vector_subcore>, window_params = [{transform_indices = #map}, {transform_indices = #map1}, {transform_indices = #map1}, {transform_indices = #map2}]} {
    %broadcast_in_dim3A = arith.constant 0.000000e+00 : f32
    %broadcast_in_dim3A_0 = vector.broadcast %broadcast_in_dim3A : f32 to vector<16xf32>
    %scan3A = arith.constant 0 : i32
    %scan3A_1 = arith.constant 0 : i32
    %scan3A_2 = arith.constant 128 : i32
    %scan3A_3 = arith.addi %scan3A_1, %scan3A_2 : i32
    %scan3A_4 = arith.constant 1 : i32
    scf.for %scan3A_25 = %scan3A_1 to %scan3A_3 step %scan3A_4  : i32 {
      %swap3A = arith.index_cast %scan3A_25 : i32 to index
      %swap3A_26 = arith.constant 0 : index
      %swap3A_27 = tpu.vector_load %arg8[%swap3A, %swap3A_26] {strides = array<i32>} : memref<128x128xf32, #tpu.memory_space<vmem>>, vector<1x16xf32>,
      %swap3A_28 = vector.shape_cast %swap3A_27 : vector<1x16xf32> to vector<16xf32>
      %swap3A_29 = vector.shape_cast %broadcast_in_dim3A_0 : vector<16xf32> to vector<1x16xf32>
      tpu.vector_store %arg8[%swap3A, %swap3A_26], %swap3A_29 {strides = array<i32>} : memref<128x128xf32, #tpu.memory_space<vmem>>, vector<1x16xf32>,
      %swap3A_30 = arith.index_cast %scan3A_25 : i32 to index
      %swap3A_31 = arith.constant 16 : index
      %swap3A_32 = tpu.vector_load %arg8[%swap3A_30, %swap3A_31] {strides = array<i32>} : memref<128x128xf32, #tpu.memory_space<vmem>>, vector<1x16xf32>,
      %swap3A_33 = vector.shape_cast %swap3A_32 : vector<1x16xf32> to vector<16xf32>
      %swap3A_34 = vector.shape_cast %broadcast_in_dim3A_0 : vector<16xf32> to vector<1x16xf32>
      tpu.vector_store %arg8[%swap3A_30, %swap3A_31], %swap3A_34 {strides = array<i32>} : memref<128x128xf32, #tpu.memory_space<vmem>>, vector<1x16xf32>,
      %swap3A_35 = arith.index_cast %scan3A_25 : i32 to index
      %swap3A_36 = arith.constant 32 : index
      %swap3A_37 = tpu.vector_load %arg8[%swap3A_35, %swap3A_36] {strides = array<i32>} : memref<128x128xf32, #tpu.memory_space<vmem>>, vector<1x16xf32>,
      %swap3A_38 = vector.shape_cast %swap3A_37 : vector<1x16xf32> to vector<16xf32>
      %swap3A_39 = vector.shape_cast %broadcast_in_dim3A_0 : vector<16xf32> to vector<1x16xf32>
      tpu.vector_store %arg8[%swap3A_35, %swap3A_36], %swap3A_39 {strides = array<i32>} : memref<128x128xf32, #tpu.memory_space<vmem>>, vector<1x16xf32>,
      %swap3A_40 = arith.index_cast %scan3A_25 : i32 to index
      %swap3A_41 = arith.constant 48 : index
      %swap3A_42 = tpu.vector_load %arg8[%swap3A_40, %swap3A_41] {strides = array<i32>} : memref<128x128xf32, #tpu.memory_space<vmem>>, vector<1x16xf32>,
      %swap3A_43 = vector.shape_cast %swap3A_42 : vector<1x16xf32> to vector<16xf32>
      %swap3A_44 = vector.shape_cast %broadcast_in_dim3A_0 : vector<16xf32> to vector<1x16xf32>
      tpu.vector_store %arg8[%swap3A_40, %swap3A_41], %swap3A_44 {strides = array<i32>} : memref<128x128xf32, #tpu.memory_space<vmem>>, vector<1x16xf32>,
      %swap3A_45 = arith.index_cast %scan3A_25 : i32 to index
      %swap3A_46 = arith.constant 64 : index
      %swap3A_47 = tpu.vector_load %arg8[%swap3A_45, %swap3A_46] {strides = array<i32>} : memref<128x128xf32, #tpu.memory_space<vmem>>, vector<1x16xf32>,
      %swap3A_48 = vector.shape_cast %swap3A_47 : vector<1x16xf32> to vector<16xf32>
      %swap3A_49 = vector.shape_cast %broadcast_in_dim3A_0 : vector<16xf32> to vector<1x16xf32>
      tpu.vector_store %arg8[%swap3A_45, %swap3A_46], %swap3A_49 {strides = array<i32>} : memref<128x128xf32, #tpu.memory_space<vmem>>, vector<1x16xf32>,
      %swap3A_50 = arith.index_cast %scan3A_25 : i32 to index
      %swap3A_51 = arith.constant 80 : index
      %swap3A_52 = tpu.vector_load %arg8[%swap3A_50, %swap3A_51] {strides = array<i32>} : memref<128x128xf32, #tpu.memory_space<vmem>>, vector<1x16xf32>,
      %swap3A_53 = vector.shape_cast %swap3A_52 : vector<1x16xf32> to vector<16xf32>
      %swap3A_54 = vector.shape_cast %broadcast_in_dim3A_0 : vector<16xf32> to vector<1x16xf32>
      tpu.vector_store %arg8[%swap3A_50, %swap3A_51], %swap3A_54 {strides = array<i32>} : memref<128x128xf32, #tpu.memory_space<vmem>>, vector<1x16xf32>,
      %swap3A_55 = arith.index_cast %scan3A_25 : i32 to index
      %swap3A_56 = arith.constant 96 : index
      %swap3A_57 = tpu.vector_load %arg8[%swap3A_55, %swap3A_56] {strides = array<i32>} : memref<128x128xf32, #tpu.memory_space<vmem>>, vector<1x16xf32>,
      %swap3A_58 = vector.shape_cast %swap3A_57 : vector<1x16xf32> to vector<16xf32>
      %swap3A_59 = vector.shape_cast %broadcast_in_dim3A_0 : vector<16xf32> to vector<1x16xf32>
      tpu.vector_store %arg8[%swap3A_55, %swap3A_56], %swap3A_59 {strides = array<i32>} : memref<128x128xf32, #tpu.memory_space<vmem>>, vector<1x16xf32>,
      %swap3A_60 = arith.index_cast %scan3A_25 : i32 to index
      %swap3A_61 = arith.constant 112 : index
      %swap3A_62 = tpu.vector_load %arg8[%swap3A_60, %swap3A_61] {strides = array<i32>} : memref<128x128xf32, #tpu.memory_space<vmem>>, vector<1x16xf32>,
      %swap3A_63 = vector.shape_cast %swap3A_62 : vector<1x16xf32> to vector<16xf32>
      %swap3A_64 = vector.shape_cast %broadcast_in_dim3A_0 : vector<16xf32> to vector<1x16xf32>
      tpu.vector_store %arg8[%swap3A_60, %swap3A_61], %swap3A_64 {strides = array<i32>} : memref<128x128xf32, #tpu.memory_space<vmem>>, vector<1x16xf32>,
    }
    %scan3A_5 = arith.constant 128 : i32
    %mul3A = arith.constant 632 : i32
    %mul3A_6 = arith.muli %arg1, %mul3A : i32
    %add3A = arith.constant 0 : i32
    %add3A_7 = arith.addi %mul3A_6, %add3A : i32
    "tpu.region"() ({
      %run_scoped3A = tpu.sem_alloc : memref<!tpu.dma_semaphore, #tpu.memory_space<semaphore_mem>>
      %dma_start3A = arith.constant 0 : i32
      %dma_start3A_25 = tpu.memref_slice %arg9[%add3A_7, %dma_start3A] : memref<10112x128xf32, #tpu.memory_space<vmem_shared>> -> memref<128x128xf32, #tpu.memory_space<vmem_shared>>
      %dma_start3A_26 = arith.constant 0 : i32
      %dma_start3A_27 = tpu.memref_slice %arg9[%add3A_7, %dma_start3A_26] : memref<10112x128xf32, #tpu.memory_space<vmem_shared>> -> memref<128x128xf32, #tpu.memory_space<vmem_shared>>
      tpu.enqueue_dma source(%arg8 : memref<128x128xf32, #tpu.memory_space<vmem>>) target(%dma_start3A_27 : memref<128x128xf32, #tpu.memory_space<vmem_shared>>) target_semaphore(%run_scoped3A : memref<!tpu.dma_semaphore, #tpu.memory_space<semaphore_mem>>)
      %dma_wait3A = arith.constant 0 : i32
      %dma_wait3A_28 = tpu.memref_slice %arg9[%add3A_7, %dma_wait3A] : memref<10112x128xf32, #tpu.memory_space<vmem_shared>> -> memref<128x128xf32, #tpu.memory_space<vmem_shared>>
      %dma_wait3A_29 = arith.constant 0 : i32
      %dma_wait3A_30 = tpu.memref_slice %arg9[%add3A_7, %dma_wait3A_29] : memref<10112x128xf32, #tpu.memory_space<vmem_shared>> -> memref<128x128xf32, #tpu.memory_space<vmem_shared>>
      tpu.wait_dma2 semaphore(%run_scoped3A : memref<!tpu.dma_semaphore, #tpu.memory_space<semaphore_mem>>) src(%arg8 : memref<128x128xf32, #tpu.memory_space<vmem>>) dst(%dma_wait3A_30 : memref<128x128xf32, #tpu.memory_space<vmem_shared>>)
      tpu.yield
    }) : () -> ()
    %add3A_8 = arith.constant 128 : i32
    %add3A_9 = arith.addi %mul3A_6, %add3A_8 : i32
    "tpu.region"() ({
      %run_scoped3A = tpu.sem_alloc : memref<!tpu.dma_semaphore, #tpu.memory_space<semaphore_mem>>
      %dma_start3A = arith.constant 0 : i32
      %dma_start3A_25 = tpu.memref_slice %arg9[%add3A_9, %dma_start3A] : memref<10112x128xf32, #tpu.memory_space<vmem_shared>> -> memref<128x128xf32, #tpu.memory_space<vmem_shared>>
      %dma_start3A_26 = arith.constant 0 : i32
      %dma_start3A_27 = tpu.memref_slice %arg9[%add3A_9, %dma_start3A_26] : memref<10112x128xf32, #tpu.memory_space<vmem_shared>> -> memref<128x128xf32, #tpu.memory_space<vmem_shared>>
      tpu.enqueue_dma source(%arg8 : memref<128x128xf32, #tpu.memory_space<vmem>>) target(%dma_start3A_27 : memref<128x128xf32, #tpu.memory_space<vmem_shared>>) target_semaphore(%run_scoped3A : memref<!tpu.dma_semaphore, #tpu.memory_space<semaphore_mem>>)
      %dma_wait3A = arith.constant 0 : i32
      %dma_wait3A_28 = tpu.memref_slice %arg9[%add3A_9, %dma_wait3A] : memref<10112x128xf32, #tpu.memory_space<vmem_shared>> -> memref<128x128xf32, #tpu.memory_space<vmem_shared>>
      %dma_wait3A_29 = arith.constant 0 : i32
      %dma_wait3A_30 = tpu.memref_slice %arg9[%add3A_9, %dma_wait3A_29] : memref<10112x128xf32, #tpu.memory_space<vmem_shared>> -> memref<128x128xf32, #tpu.memory_space<vmem_shared>>
      tpu.wait_dma2 semaphore(%run_scoped3A : memref<!tpu.dma_semaphore, #tpu.memory_space<semaphore_mem>>) src(%arg8 : memref<128x128xf32, #tpu.memory_space<vmem>>) dst(%dma_wait3A_30 : memref<128x128xf32, #tpu.memory_space<vmem_shared>>)
      tpu.yield
    }) : () -> ()
    %add3A_10 = arith.constant 256 : i32
    %add3A_11 = arith.addi %mul3A_6, %add3A_10 : i32
    "tpu.region"() ({
      %run_scoped3A = tpu.sem_alloc : memref<!tpu.dma_semaphore, #tpu.memory_space<semaphore_mem>>
      %dma_start3A = arith.constant 0 : i32
      %dma_start3A_25 = tpu.memref_slice %arg9[%add3A_11, %dma_start3A] : memref<10112x128xf32, #tpu.memory_space<vmem_shared>> -> memref<128x128xf32, #tpu.memory_space<vmem_shared>>
      %dma_start3A_26 = arith.constant 0 : i32
      %dma_start3A_27 = tpu.memref_slice %arg9[%add3A_11, %dma_start3A_26] : memref<10112x128xf32, #tpu.memory_space<vmem_shared>> -> memref<128x128xf32, #tpu.memory_space<vmem_shared>>
      tpu.enqueue_dma source(%arg8 : memref<128x128xf32, #tpu.memory_space<vmem>>) target(%dma_start3A_27 : memref<128x128xf32, #tpu.memory_space<vmem_shared>>) target_semaphore(%run_scoped3A : memref<!tpu.dma_semaphore, #tpu.memory_space<semaphore_mem>>)
      %dma_wait3A = arith.constant 0 : i32
      %dma_wait3A_28 = tpu.memref_slice %arg9[%add3A_11, %dma_wait3A] : memref<10112x128xf32, #tpu.memory_space<vmem_shared>> -> memref<128x128xf32, #tpu.memory_space<vmem_shared>>
      %dma_wait3A_29 = arith.constant 0 : i32
      %dma_wait3A_30 = tpu.memref_slice %arg9[%add3A_11, %dma_wait3A_29] : memref<10112x128xf32, #tpu.memory_space<vmem_shared>> -> memref<128x128xf32, #tpu.memory_space<vmem_shared>>
      tpu.wait_dma2 semaphore(%run_scoped3A : memref<!tpu.dma_semaphore, #tpu.memory_space<semaphore_mem>>) src(%arg8 : memref<128x128xf32, #tpu.memory_space<vmem>>) dst(%dma_wait3A_30 : memref<128x128xf32, #tpu.memory_space<vmem_shared>>)
      tpu.yield
    }) : () -> ()
    %add3A_12 = arith.constant 384 : i32
    %add3A_13 = arith.addi %mul3A_6, %add3A_12 : i32
    "tpu.region"() ({
      %run_scoped3A = tpu.sem_alloc : memref<!tpu.dma_semaphore, #tpu.memory_space<semaphore_mem>>
      %dma_start3A = arith.constant 0 : i32
      %dma_start3A_25 = tpu.memref_slice %arg9[%add3A_13, %dma_start3A] : memref<10112x128xf32, #tpu.memory_space<vmem_shared>> -> memref<128x128xf32, #tpu.memory_space<vmem_shared>>
      %dma_start3A_26 = arith.constant 0 : i32
      %dma_start3A_27 = tpu.memref_slice %arg9[%add3A_13, %dma_start3A_26] : memref<10112x128xf32, #tpu.memory_space<vmem_shared>> -> memref<128x128xf32, #tpu.memory_space<vmem_shared>>
      tpu.enqueue_dma source(%arg8 : memref<128x128xf32, #tpu.memory_space<vmem>>) target(%dma_start3A_27 : memref<128x128xf32, #tpu.memory_space<vmem_shared>>) target_semaphore(%run_scoped3A : memref<!tpu.dma_semaphore, #tpu.memory_space<semaphore_mem>>)
      %dma_wait3A = arith.constant 0 : i32
      %dma_wait3A_28 = tpu.memref_slice %arg9[%add3A_13, %dma_wait3A] : memref<10112x128xf32, #tpu.memory_space<vmem_shared>> -> memref<128x128xf32, #tpu.memory_space<vmem_shared>>
      %dma_wait3A_29 = arith.constant 0 : i32
      %dma_wait3A_30 = tpu.memref_slice %arg9[%add3A_13, %dma_wait3A_29] : memref<10112x128xf32, #tpu.memory_space<vmem_shared>> -> memref<128x128xf32, #tpu.memory_space<vmem_shared>>
      tpu.wait_dma2 semaphore(%run_scoped3A : memref<!tpu.dma_semaphore, #tpu.memory_space<semaphore_mem>>) src(%arg8 : memref<128x128xf32, #tpu.memory_space<vmem>>) dst(%dma_wait3A_30 : memref<128x128xf32, #tpu.memory_space<vmem_shared>>)
      tpu.yield
    }) : () -> ()
    %add3A_14 = arith.constant 512 : i32
    %add3A_15 = arith.addi %mul3A_6, %add3A_14 : i32
    "tpu.region"() ({
      %run_scoped3A = tpu.sem_alloc : memref<!tpu.dma_semaphore, #tpu.memory_space<semaphore_mem>>
      %dma_start3A = arith.constant 0 : i32
      %dma_start3A_25 = arith.constant 0 : i32
      %dma_start3A_26 = tpu.memref_slice %arg8[%dma_start3A, %dma_start3A_25] : memref<128x128xf32, #tpu.memory_space<vmem>> -> memref<120x128xf32, #tpu.memory_space<vmem>>
      %dma_start3A_27 = arith.constant 0 : i32
      %dma_start3A_28 = tpu.memref_slice %arg9[%add3A_15, %dma_start3A_27] : memref<10112x128xf32, #tpu.memory_space<vmem_shared>> -> memref<120x128xf32, #tpu.memory_space<vmem_shared>>
      %dma_start3A_29 = arith.constant 0 : i32
      %dma_start3A_30 = tpu.memref_slice %arg9[%add3A_15, %dma_start3A_29] : memref<10112x128xf32, #tpu.memory_space<vmem_shared>> -> memref<120x128xf32, #tpu.memory_space<vmem_shared>>
      %dma_start3A_31 = arith.constant 0 : i32
      %dma_start3A_32 = arith.constant 0 : i32
      %dma_start3A_33 = tpu.memref_slice %arg8[%dma_start3A_31, %dma_start3A_32] : memref<128x128xf32, #tpu.memory_space<vmem>> -> memref<120x128xf32, #tpu.memory_space<vmem>>
      tpu.enqueue_dma source(%dma_start3A_33 : memref<120x128xf32, #tpu.memory_space<vmem>>) target(%dma_start3A_30 : memref<120x128xf32, #tpu.memory_space<vmem_shared>>) target_semaphore(%run_scoped3A : memref<!tpu.dma_semaphore, #tpu.memory_space<semaphore_mem>>)
      %dma_wait3A = arith.constant 0 : i32
      %dma_wait3A_34 = arith.constant 0 : i32
      %dma_wait3A_35 = tpu.memref_slice %arg8[%dma_wait3A, %dma_wait3A_34] : memref<128x128xf32, #tpu.memory_space<vmem>> -> memref<120x128xf32, #tpu.memory_space<vmem>>
      %dma_wait3A_36 = arith.constant 0 : i32
      %dma_wait3A_37 = tpu.memref_slice %arg9[%add3A_15, %dma_wait3A_36] : memref<10112x128xf32, #tpu.memory_space<vmem_shared>> -> memref<120x128xf32, #tpu.memory_space<vmem_shared>>
      %dma_wait3A_38 = arith.constant 0 : i32
      %dma_wait3A_39 = tpu.memref_slice %arg9[%add3A_15, %dma_wait3A_38] : memref<10112x128xf32, #tpu.memory_space<vmem_shared>> -> memref<120x128xf32, #tpu.memory_space<vmem_shared>>
      %dma_wait3A_40 = arith.constant 0 : i32
      %dma_wait3A_41 = arith.constant 0 : i32
      %dma_wait3A_42 = tpu.memref_slice %arg8[%dma_wait3A_40, %dma_wait3A_41] : memref<128x128xf32, #tpu.memory_space<vmem>> -> memref<120x128xf32, #tpu.memory_space<vmem>>
      tpu.wait_dma2 semaphore(%run_scoped3A : memref<!tpu.dma_semaphore, #tpu.memory_space<semaphore_mem>>) src(%dma_wait3A_42 : memref<120x128xf32, #tpu.memory_space<vmem>>) dst(%dma_wait3A_39 : memref<120x128xf32, #tpu.memory_space<vmem_shared>>)
      tpu.yield
    }) : () -> ()
    "tpu.region"() ({
      %run_scoped3A = tpu.sem_alloc : memref<!tpu.dma_semaphore, #tpu.memory_space<semaphore_mem>>
      %dma_start3A = arith.constant 0 : i32
      %dma_start3A_25 = arith.constant 0 : i32
      %dma_start3A_26 = tpu.memref_slice %arg3[%arg0, %arg1, %dma_start3A, %dma_start3A_25] : memref<2x16x79x128xi32, #tpu.memory_space<hbm>> -> memref<1x1x79x128xi32, #tpu.memory_space<hbm>>
      %dma_start3A_27 = tpu.memref_squeeze %dma_start3A_26 : memref<1x1x79x128xi32, #tpu.memory_space<hbm>> -> memref<79x128xi32, #tpu.memory_space<hbm>>
      %dma_start3A_28 = arith.constant 0 : i32
      %dma_start3A_29 = arith.constant 0 : i32
      %dma_start3A_30 = tpu.memref_slice %arg3[%arg0, %arg1, %dma_start3A_28, %dma_start3A_29] : memref<2x16x79x128xi32, #tpu.memory_space<hbm>> -> memref<1x1x79x128xi32, #tpu.memory_space<hbm>>
      %dma_start3A_31 = tpu.memref_squeeze %dma_start3A_30 : memref<1x1x79x128xi32, #tpu.memory_space<hbm>> -> memref<79x128xi32, #tpu.memory_space<hbm>>
      tpu.enqueue_dma source(%dma_start3A_31 : memref<79x128xi32, #tpu.memory_space<hbm>>) target(%arg6 : memref<79x128xi32, #tpu.memory_space<vmem>>) target_semaphore(%run_scoped3A : memref<!tpu.dma_semaphore, #tpu.memory_space<semaphore_mem>>)
      %dma_wait3A = arith.constant 0 : i32
      %dma_wait3A_32 = arith.constant 0 : i32
      %dma_wait3A_33 = tpu.memref_slice %arg3[%arg0, %arg1, %dma_wait3A, %dma_wait3A_32] : memref<2x16x79x128xi32, #tpu.memory_space<hbm>> -> memref<1x1x79x128xi32, #tpu.memory_space<hbm>>
      %dma_wait3A_34 = tpu.memref_squeeze %dma_wait3A_33 : memref<1x1x79x128xi32, #tpu.memory_space<hbm>> -> memref<79x128xi32, #tpu.memory_space<hbm>>
      %dma_wait3A_35 = arith.constant 0 : i32
      %dma_wait3A_36 = arith.constant 0 : i32
      %dma_wait3A_37 = tpu.memref_slice %arg3[%arg0, %arg1, %dma_wait3A_35, %dma_wait3A_36] : memref<2x16x79x128xi32, #tpu.memory_space<hbm>> -> memref<1x1x79x128xi32, #tpu.memory_space<hbm>>
      %dma_wait3A_38 = tpu.memref_squeeze %dma_wait3A_37 : memref<1x1x79x128xi32, #tpu.memory_space<hbm>> -> memref<79x128xi32, #tpu.memory_space<hbm>>
      tpu.wait_dma2 semaphore(%run_scoped3A : memref<!tpu.dma_semaphore, #tpu.memory_space<semaphore_mem>>) src(%dma_wait3A_38 : memref<79x128xi32, #tpu.memory_space<hbm>>) dst(%arg6 : memref<79x128xi32, #tpu.memory_space<vmem>>)
      tpu.yield
    }) : () -> ()
    "tpu.region"() ({
      %run_scoped3A = tpu.sem_alloc : memref<!tpu.dma_semaphore, #tpu.memory_space<semaphore_mem>>
      %dma_start3A = arith.constant 0 : i32
      %dma_start3A_25 = arith.constant 0 : i32
      %dma_start3A_26 = tpu.memref_slice %arg4[%arg0, %arg1, %dma_start3A, %dma_start3A_25] : memref<2x16x79x128xi32, #tpu.memory_space<hbm>> -> memref<1x1x79x128xi32, #tpu.memory_space<hbm>>
      %dma_start3A_27 = tpu.memref_squeeze %dma_start3A_26 : memref<1x1x79x128xi32, #tpu.memory_space<hbm>> -> memref<79x128xi32, #tpu.memory_space<hbm>>
      %dma_start3A_28 = arith.constant 0 : i32
      %dma_start3A_29 = arith.constant 0 : i32
      %dma_start3A_30 = tpu.memref_slice %arg4[%arg0, %arg1, %dma_start3A_28, %dma_start3A_29] : memref<2x16x79x128xi32, #tpu.memory_space<hbm>> -> memref<1x1x79x128xi32, #tpu.memory_space<hbm>>
      %dma_start3A_31 = tpu.memref_squeeze %dma_start3A_30 : memref<1x1x79x128xi32, #tpu.memory_space<hbm>> -> memref<79x128xi32, #tpu.memory_space<hbm>>
      tpu.enqueue_dma source(%dma_start3A_31 : memref<79x128xi32, #tpu.memory_space<hbm>>) target(%arg7 : memref<79x128xi32, #tpu.memory_space<vmem>>) target_semaphore(%run_scoped3A : memref<!tpu.dma_semaphore, #tpu.memory_space<semaphore_mem>>)
      %dma_wait3A = arith.constant 0 : i32
      %dma_wait3A_32 = arith.constant 0 : i32
      %dma_wait3A_33 = tpu.memref_slice %arg4[%arg0, %arg1, %dma_wait3A, %dma_wait3A_32] : memref<2x16x79x128xi32, #tpu.memory_space<hbm>> -> memref<1x1x79x128xi32, #tpu.memory_space<hbm>>
      %dma_wait3A_34 = tpu.memref_squeeze %dma_wait3A_33 : memref<1x1x79x128xi32, #tpu.memory_space<hbm>> -> memref<79x128xi32, #tpu.memory_space<hbm>>
      %dma_wait3A_35 = arith.constant 0 : i32
      %dma_wait3A_36 = arith.constant 0 : i32
      %dma_wait3A_37 = tpu.memref_slice %arg4[%arg0, %arg1, %dma_wait3A_35, %dma_wait3A_36] : memref<2x16x79x128xi32, #tpu.memory_space<hbm>> -> memref<1x1x79x128xi32, #tpu.memory_space<hbm>>
      %dma_wait3A_38 = tpu.memref_squeeze %dma_wait3A_37 : memref<1x1x79x128xi32, #tpu.memory_space<hbm>> -> memref<79x128xi32, #tpu.memory_space<hbm>>
      tpu.wait_dma2 semaphore(%run_scoped3A : memref<!tpu.dma_semaphore, #tpu.memory_space<semaphore_mem>>) src(%dma_wait3A_38 : memref<79x128xi32, #tpu.memory_space<hbm>>) dst(%arg7 : memref<79x128xi32, #tpu.memory_space<vmem>>)
      tpu.yield
    }) : () -> ()
    %barrier3A = arith.constant 0 : index
    tpu.barrier barrier_id(%barrier3A)
    %scan3A_16 = arith.constant 0 : i32
    %scan3A_17 = arith.constant 0 : i32
    %scan3A_18 = arith.constant 79 : i32
    %scan3A_19 = arith.addi %scan3A_17, %scan3A_18 : i32
    %scan3A_20 = arith.constant 1 : i32
    scf.for %scan3A_25 = %scan3A_17 to %scan3A_19 step %scan3A_20  : i32 {
      %dma_start3A = arith.constant 0 : i32
      %dma_start3A_26 = tpu.memref_slice %arg6[%scan3A_25, %dma_start3A] : memref<79x128xi32, #tpu.memory_space<vmem>> -> memref<1x128xi32, #tpu.memory_space<vmem>>
      %dma_start3A_27 = tpu.memref_squeeze %dma_start3A_26 : memref<1x128xi32, #tpu.memory_space<vmem>> -> memref<128xi32, #tpu.memory_space<vmem>>
      %dma_start3A_28 = arith.constant 0 : i32
      %dma_start3A_29 = arith.constant 0 : i32
      %dma_start3A_30 = tpu.memref_slice %arg2[%dma_start3A_28, %dma_start3A_29] : memref<10000x128xf32, #tpu.memory_space<hbm>> -> memref<10000x128xf32, #tpu.memory_space<hbm>>
      tpu.enqueue_indirect_dma source(%dma_start3A_30 : memref<10000x128xf32, #tpu.memory_space<hbm>>) target(%arg8 : memref<128x128xf32, #tpu.memory_space<vmem>>) offsets(%dma_start3A_27 : memref<128xi32, #tpu.memory_space<vmem>>) semaphore(%arg10 : memref<!tpu.dma_semaphore, #tpu.memory_space<semaphore_mem>>)
      %dma_wait3A = arith.constant 0 : i32
      %dma_wait3A_31 = tpu.memref_slice %arg6[%scan3A_25, %dma_wait3A] : memref<79x128xi32, #tpu.memory_space<vmem>> -> memref<1x128xi32, #tpu.memory_space<vmem>>
      %dma_wait3A_32 = tpu.memref_squeeze %dma_wait3A_31 : memref<1x128xi32, #tpu.memory_space<vmem>> -> memref<128xi32, #tpu.memory_space<vmem>>
      %dma_wait3A_33 = arith.constant 0 : i32
      %dma_wait3A_34 = arith.constant 0 : i32
      %dma_wait3A_35 = tpu.memref_slice %arg2[%dma_wait3A_33, %dma_wait3A_34] : memref<10000x128xf32, #tpu.memory_space<hbm>> -> memref<10000x128xf32, #tpu.memory_space<hbm>>
      tpu.wait_indirect_dma semaphore(%arg10 : memref<!tpu.dma_semaphore, #tpu.memory_space<semaphore_mem>>) src(%dma_wait3A_35 : memref<10000x128xf32, #tpu.memory_space<hbm>>) dst(%arg8 : memref<128x128xf32, #tpu.memory_space<vmem>>)
      "tpu.region"() ({
        %run_scoped3A = tpu.sem_alloc : memref<!tpu.dma_semaphore, #tpu.memory_space<semaphore_mem>>
        %dma_start3A_36 = arith.constant 0 : i32
        %dma_start3A_37 = tpu.memref_slice %arg7[%scan3A_25, %dma_start3A_36] : memref<79x128xi32, #tpu.memory_space<vmem>> -> memref<1x128xi32, #tpu.memory_space<vmem>>
        %dma_start3A_38 = tpu.memref_squeeze %dma_start3A_37 : memref<1x128xi32, #tpu.memory_space<vmem>> -> memref<128xi32, #tpu.memory_space<vmem>>
        %dma_start3A_39 = arith.constant 0 : i32
        %dma_start3A_40 = arith.constant 0 : i32
        %dma_start3A_41 = tpu.memref_slice %arg9[%dma_start3A_39, %dma_start3A_40] : memref<10112x128xf32, #tpu.memory_space<vmem_shared>> -> memref<10112x128xf32, #tpu.memory_space<vmem_shared>>
        tpu.enqueue_indirect_dma source(%arg8 : memref<128x128xf32, #tpu.memory_space<vmem>>) target(%dma_start3A_41 : memref<10112x128xf32, #tpu.memory_space<vmem_shared>>) offsets(%dma_start3A_38 : memref<128xi32, #tpu.memory_space<vmem>>) semaphore(%run_scoped3A : memref<!tpu.dma_semaphore, #tpu.memory_space<semaphore_mem>>) {add = true}
        %dma_wait3A_42 = arith.constant 0 : i32
        %dma_wait3A_43 = tpu.memref_slice %arg7[%scan3A_25, %dma_wait3A_42] : memref<79x128xi32, #tpu.memory_space<vmem>> -> memref<1x128xi32, #tpu.memory_space<vmem>>
        %dma_wait3A_44 = tpu.memref_squeeze %dma_wait3A_43 : memref<1x128xi32, #tpu.memory_space<vmem>> -> memref<128xi32, #tpu.memory_space<vmem>>
        %dma_wait3A_45 = arith.constant 0 : i32
        %dma_wait3A_46 = arith.constant 0 : i32
        %dma_wait3A_47 = tpu.memref_slice %arg9[%dma_wait3A_45, %dma_wait3A_46] : memref<10112x128xf32, #tpu.memory_space<vmem_shared>> -> memref<10112x128xf32, #tpu.memory_space<vmem_shared>>
        tpu.wait_indirect_dma semaphore(%run_scoped3A : memref<!tpu.dma_semaphore, #tpu.memory_space<semaphore_mem>>) src(%arg8 : memref<128x128xf32, #tpu.memory_space<vmem>>) dst(%dma_wait3A_47 : memref<10112x128xf32, #tpu.memory_space<vmem_shared>>)
        tpu.yield
      }) : () -> ()
    }
    %scan3A_21 = arith.constant 79 : i32
    %barrier3A_22 = arith.constant 0 : index
    tpu.barrier barrier_id(%barrier3A_22)
    %mul3A_23 = arith.constant 632 : i32
    %mul3A_24 = arith.muli %arg1, %mul3A_23 : i32
    "tpu.region"() ({
      %run_scoped3A = tpu.sem_alloc : memref<!tpu.dma_semaphore, #tpu.memory_space<semaphore_mem>>
      %dma_start3A = arith.constant 0 : i32
      %dma_start3A_25 = tpu.memref_slice %arg5[%arg0, %mul3A_24, %dma_start3A] : memref<2x10112x128xf32, #tpu.memory_space<hbm>> -> memref<1x632x128xf32, #tpu.memory_space<hbm>>
      %dma_start3A_26 = tpu.memref_squeeze %dma_start3A_25 : memref<1x632x128xf32, #tpu.memory_space<hbm>> -> memref<632x128xf32, #tpu.memory_space<hbm>>
      %dma_start3A_27 = arith.constant 0 : i32
      %dma_start3A_28 = tpu.memref_slice %arg9[%mul3A_24, %dma_start3A_27] : memref<10112x128xf32, #tpu.memory_space<vmem_shared>> -> memref<632x128xf32, #tpu.memory_space<vmem_shared>>
      tpu.enqueue_dma source(%dma_start3A_28 : memref<632x128xf32, #tpu.memory_space<vmem_shared>>) target(%dma_start3A_26 : memref<632x128xf32, #tpu.memory_space<hbm>>) target_semaphore(%run_scoped3A : memref<!tpu.dma_semaphore, #tpu.memory_space<semaphore_mem>>)
      %dma_wait3A = arith.constant 0 : i32
      %dma_wait3A_29 = tpu.memref_slice %arg5[%arg0, %mul3A_24, %dma_wait3A] : memref<2x10112x128xf32, #tpu.memory_space<hbm>> -> memref<1x632x128xf32, #tpu.memory_space<hbm>>
      %dma_wait3A_30 = tpu.memref_squeeze %dma_wait3A_29 : memref<1x632x128xf32, #tpu.memory_space<hbm>> -> memref<632x128xf32, #tpu.memory_space<hbm>>
      %dma_wait3A_31 = arith.constant 0 : i32
      %dma_wait3A_32 = tpu.memref_slice %arg9[%mul3A_24, %dma_wait3A_31] : memref<10112x128xf32, #tpu.memory_space<vmem_shared>> -> memref<632x128xf32, #tpu.memory_space<vmem_shared>>
      tpu.wait_dma2 semaphore(%run_scoped3A : memref<!tpu.dma_semaphore, #tpu.memory_space<semaphore_mem>>) src(%dma_wait3A_32 : memref<632x128xf32, #tpu.memory_space<vmem_shared>>) dst(%dma_wait3A_30 : memref<632x128xf32, #tpu.memory_space<hbm>>)
      tpu.yield
    }) : () -> ()
    return
  }
}

module attributes {stable_mosaic.version = 14 : i64} {
  func.func @_mm_body(%arg0: i32, %arg1: memref<1000x128xf32, #tpu.memory_space<vmem>>, %arg2: memref<128x128xf32, #tpu.memory_space<vmem>>, %arg3: memref<1000x128xf32, #tpu.memory_space<vmem>>) attributes {dimension_semantics = [#tpu.dimension_semantics<arbitrary>], iteration_bounds = array<i64: 10>, scalar_prefetch = 0 : i64, scratch_operands = 0 : i64, tpu.core_type = #tpu.core_type<tc>, window_params = [{transform_indices = @transform_0, window_bounds = array<i64: 1000, 128>}, {pipeline_mode = #tpu.pipeline_mode<synchronous>, transform_indices = @transform_1, window_bounds = array<i64: 128, 128>}, {transform_indices = @transform_2, window_bounds = array<i64: 1000, 128>}]} {
    %get3A = arith.constant 0 : index
    %get3A_0 = arith.constant 0 : index
    %get3A_1 = vector.load %arg1[%get3A, %get3A_0] : memref<1000x128xf32, #tpu.memory_space<vmem>>, vector<1000x128xf32>
    %get3A_2 = arith.constant 0 : index
    %get3A_3 = arith.constant 0 : index
    %get3A_4 = vector.load %arg2[%get3A_2, %get3A_3] : memref<128x128xf32, #tpu.memory_space<vmem>>, vector<128x128xf32>
    %dot_general3A = arith.constant dense<0.000000e+00> : vector<1000x128xf32>
    %dot_general3A_5 = tpu.matmul %get3A_1, %get3A_4, %dot_general3A {dimension_numbers = #tpu.dot_dimension_numbers<[1], [0], [0], [1], [0, 0, 1, 1], [], []>, transpose_lhs_hint = false} : vector<1000x128xf32>, vector<128x128xf32>, vector<1000x128xf32> -> vector<1000x128xf32>
    %swap3A = arith.constant 0 : index
    %swap3A_6 = arith.constant 0 : index
    %swap3A_7 = vector.load %arg3[%swap3A, %swap3A_6] : memref<1000x128xf32, #tpu.memory_space<vmem>>, vector<1000x128xf32>
    tpu.vector_store %arg3[%swap3A, %swap3A_6], %dot_general3A_5 {strides = array<i32>} : memref<1000x128xf32, #tpu.memory_space<vmem>>, vector<1000x128xf32>,
    return
  }
  func.func @transform_0(%arg0: i32) -> (i32, i32) {
    %c0_i32 = arith.constant 0 : i32
    %c0_i32_0 = arith.constant 0 : i32
    return %arg0, %c0_i32 : i32, i32
  }
  func.func @transform_1(%arg0: i32) -> (i32, i32) {
    %c0_i32 = arith.constant 0 : i32
    %c0_i32_0 = arith.constant 0 : i32
    %c0_i32_1 = arith.constant 0 : i32
    return %c0_i32, %c0_i32_0 : i32, i32
  }
  func.func @transform_2(%arg0: i32) -> (i32, i32) {
    %c0_i32 = arith.constant 0 : i32
    %c0_i32_0 = arith.constant 0 : i32
    return %arg0, %c0_i32 : i32, i32
  }
}

module attributes {stable_mosaic.version = 14 : i64} {
  func.func @_mid_body(%arg0: i32, %arg1: memref<2x1000x128xf32, #tpu.memory_space<vmem>>, %arg2: memref<1x128xf32, #tpu.memory_space<vmem>>, %arg3: memref<128x128xf32, #tpu.memory_space<vmem>>, %arg4: memref<1000x128xf32, #tpu.memory_space<vmem>>) attributes {dimension_semantics = [#tpu.dimension_semantics<arbitrary>], iteration_bounds = array<i64: 10>, scalar_prefetch = 0 : i64, scratch_operands = 0 : i64, tpu.core_type = #tpu.core_type<tc>, window_params = [{transform_indices = @transform_0, window_bounds = array<i64: 2, 1000, 128>}, {pipeline_mode = #tpu.pipeline_mode<synchronous>, transform_indices = @transform_1, window_bounds = array<i64: 1, 128>}, {pipeline_mode = #tpu.pipeline_mode<synchronous>, transform_indices = @transform_2, window_bounds = array<i64: 128, 128>}, {transform_indices = @transform_3, window_bounds = array<i64: 1000, 128>}]} {
    %get3A = arith.constant 0 : index
    %get3A_0 = arith.constant 0 : index
    %get3A_1 = arith.constant 0 : index
    %get3A_2 = vector.load %arg1[%get3A, %get3A_0, %get3A_1] : memref<2x1000x128xf32, #tpu.memory_space<vmem>>, vector<1x1000x128xf32>
    %get3A_3 = vector.shape_cast %get3A_2 : vector<1x1000x128xf32> to vector<1000x128xf32>
    %get3A_4 = arith.constant 1 : index
    %get3A_5 = arith.constant 0 : index
    %get3A_6 = arith.constant 0 : index
    %get3A_7 = vector.load %arg1[%get3A_4, %get3A_5, %get3A_6] : memref<2x1000x128xf32, #tpu.memory_space<vmem>>, vector<1x1000x128xf32>
    %get3A_8 = vector.shape_cast %get3A_7 : vector<1x1000x128xf32> to vector<1000x128xf32>
    %add3A = arith.addf %get3A_3, %get3A_8 : vector<1000x128xf32>
    %get3A_9 = arith.constant 0 : index
    %get3A_10 = arith.constant 0 : index
    %get3A_11 = vector.load %arg2[%get3A_9, %get3A_10] : memref<1x128xf32, #tpu.memory_space<vmem>>, vector<1x128xf32>
    %add3A_12 = vector.broadcast %get3A_11 : vector<1x128xf32> to vector<1000x128xf32>
    %add3A_13 = arith.addf %add3A, %add3A_12 : vector<1000x128xf32>
    %max3A = arith.constant 0.000000e+00 : f32
    %max3A_14 = vector.broadcast %max3A : f32 to vector<1000x128xf32>
    %max3A_15 = arith.maximumf %add3A_13, %max3A_14 : vector<1000x128xf32>
    %get3A_16 = arith.constant 0 : index
    %get3A_17 = arith.constant 0 : index
    %get3A_18 = vector.load %arg3[%get3A_16, %get3A_17] : memref<128x128xf32, #tpu.memory_space<vmem>>, vector<128x128xf32>
    %dot_general3A = arith.constant dense<0.000000e+00> : vector<1000x128xf32>
    %dot_general3A_19 = tpu.matmul %max3A_15, %get3A_18, %dot_general3A {dimension_numbers = #tpu.dot_dimension_numbers<[1], [0], [0], [1], [0, 0, 1, 1], [], []>, transpose_lhs_hint = false} : vector<1000x128xf32>, vector<128x128xf32>, vector<1000x128xf32> -> vector<1000x128xf32>
    %swap3A = arith.constant 0 : index
    %swap3A_20 = arith.constant 0 : index
    %swap3A_21 = vector.load %arg4[%swap3A, %swap3A_20] : memref<1000x128xf32, #tpu.memory_space<vmem>>, vector<1000x128xf32>
    tpu.vector_store %arg4[%swap3A, %swap3A_20], %dot_general3A_19 {strides = array<i32>} : memref<1000x128xf32, #tpu.memory_space<vmem>>, vector<1000x128xf32>,
    return
  }
  func.func @transform_0(%arg0: i32) -> (i32, i32, i32) {
    %c0_i32 = arith.constant 0 : i32
    %c0_i32_0 = arith.constant 0 : i32
    %c0_i32_1 = arith.constant 0 : i32
    return %c0_i32, %arg0, %c0_i32_0 : i32, i32, i32
  }
  func.func @transform_1(%arg0: i32) -> (i32, i32) {
    %c0_i32 = arith.constant 0 : i32
    %c0_i32_0 = arith.constant 0 : i32
    %c0_i32_1 = arith.constant 0 : i32
    return %c0_i32, %c0_i32_0 : i32, i32
  }
  func.func @transform_2(%arg0: i32) -> (i32, i32) {
    %c0_i32 = arith.constant 0 : i32
    %c0_i32_0 = arith.constant 0 : i32
    %c0_i32_1 = arith.constant 0 : i32
    return %c0_i32, %c0_i32_0 : i32, i32
  }
  func.func @transform_3(%arg0: i32) -> (i32, i32) {
    %c0_i32 = arith.constant 0 : i32
    %c0_i32_0 = arith.constant 0 : i32
    return %arg0, %c0_i32 : i32, i32
  }
}

module attributes {stable_mosaic.version = 14 : i64} {
  func.func @_fin_body(%arg0: i32, %arg1: memref<2x1000x128xf32, #tpu.memory_space<vmem>>, %arg2: memref<1x128xf32, #tpu.memory_space<vmem>>, %arg3: memref<1000x128xf32, #tpu.memory_space<vmem>>) attributes {dimension_semantics = [#tpu.dimension_semantics<arbitrary>], iteration_bounds = array<i64: 10>, scalar_prefetch = 0 : i64, scratch_operands = 0 : i64, tpu.core_type = #tpu.core_type<tc>, window_params = [{transform_indices = @transform_0, window_bounds = array<i64: 2, 1000, 128>}, {pipeline_mode = #tpu.pipeline_mode<synchronous>, transform_indices = @transform_1, window_bounds = array<i64: 1, 128>}, {transform_indices = @transform_2, window_bounds = array<i64: 1000, 128>}]} {
    %get3A = arith.constant 0 : index
    %get3A_0 = arith.constant 0 : index
    %get3A_1 = arith.constant 0 : index
    %get3A_2 = vector.load %arg1[%get3A, %get3A_0, %get3A_1] : memref<2x1000x128xf32, #tpu.memory_space<vmem>>, vector<1x1000x128xf32>
    %get3A_3 = vector.shape_cast %get3A_2 : vector<1x1000x128xf32> to vector<1000x128xf32>
    %get3A_4 = arith.constant 1 : index
    %get3A_5 = arith.constant 0 : index
    %get3A_6 = arith.constant 0 : index
    %get3A_7 = vector.load %arg1[%get3A_4, %get3A_5, %get3A_6] : memref<2x1000x128xf32, #tpu.memory_space<vmem>>, vector<1x1000x128xf32>
    %get3A_8 = vector.shape_cast %get3A_7 : vector<1x1000x128xf32> to vector<1000x128xf32>
    %add3A = arith.addf %get3A_3, %get3A_8 : vector<1000x128xf32>
    %get3A_9 = arith.constant 0 : index
    %get3A_10 = arith.constant 0 : index
    %get3A_11 = vector.load %arg2[%get3A_9, %get3A_10] : memref<1x128xf32, #tpu.memory_space<vmem>>, vector<1x128xf32>
    %add3A_12 = vector.broadcast %get3A_11 : vector<1x128xf32> to vector<1000x128xf32>
    %add3A_13 = arith.addf %add3A, %add3A_12 : vector<1000x128xf32>
    %max3A = arith.constant 0.000000e+00 : f32
    %max3A_14 = vector.broadcast %max3A : f32 to vector<1000x128xf32>
    %max3A_15 = arith.maximumf %add3A_13, %max3A_14 : vector<1000x128xf32>
    %swap3A = arith.constant 0 : index
    %swap3A_16 = arith.constant 0 : index
    %swap3A_17 = vector.load %arg3[%swap3A, %swap3A_16] : memref<1000x128xf32, #tpu.memory_space<vmem>>, vector<1000x128xf32>
    tpu.vector_store %arg3[%swap3A, %swap3A_16], %max3A_15 {strides = array<i32>} : memref<1000x128xf32, #tpu.memory_space<vmem>>, vector<1000x128xf32>,
    return
  }
  func.func @transform_0(%arg0: i32) -> (i32, i32, i32) {
    %c0_i32 = arith.constant 0 : i32
    %c0_i32_0 = arith.constant 0 : i32
    %c0_i32_1 = arith.constant 0 : i32
    return %c0_i32, %arg0, %c0_i32_0 : i32, i32, i32
  }
  func.func @transform_1(%arg0: i32) -> (i32, i32) {
    %c0_i32 = arith.constant 0 : i32
    %c0_i32_0 = arith.constant 0 : i32
    %c0_i32_1 = arith.constant 0 : i32
    return %c0_i32, %c0_i32_0 : i32, i32
  }
  func.func @transform_2(%arg0: i32) -> (i32, i32) {
    %c0_i32 = arith.constant 0 : i32
    %c0_i32_0 = arith.constant 0 : i32
    return %arg0, %c0_i32 : i32, i32
  }
}

</mosaic_0001>

<sc_bundles>
// kernel: kernel.10.cloned.1.call-start
scs
__scs_entry_jumppad:
0x0: {  	(pc) =	sbr.rel $0x88, $3  }
0x1: {  	(tag) =	ssettag $0x0;
	lr =	simm.s32 $0x1  }
0x2: {  	[smem:$0x3F9B] =	sst lr;
	_ =	strace $0xD0000000  }
0x3: {  	_ = 	snop  }
0x4: {  	_ = 	snop  }
0x5: {  	_ = 	snop  }
0x6: {  	_ = 	snop  }
0x7: {  	_ = 	snop  }
__scs_overlays_trampoline_lowered:
0x8: {  	[smem:$0x3FAA] =	sst s0  }
0x9: {  	[smem:$0x3FAB] =	sst s1  }
0xa: {  	[smem:$0x3FAC] =	sst s2  }
0xb: {  	[smem:$0x3FAD] =	sst s3  }
0xc: {  	[smem:$0x3FAE] =	sst s4  }
0xd: {  	[smem:$0x3FAF] =	sst s5  }
0xe: {  	[smem:$0x3FB0] =	sst s6  }
0xf: {  	[smem:$0x3FB1] =	sst s7  }
0x10: {  	[smem:$0x3FB2] =	sst s8  }
0x11: {  	[smem:$0x3FB3] =	sst s9;
	s0 =	simm.s32 @!p0 $0x0  }
0x12: {  	s1 =	sld [smem:$0x3F99];
	s0 =	simm.s32 @p0 $0x1  }
0x13: {  	[smem:$0x3FB4] =	sst s0;
	s0 =	simm.s32 @!p1 $0x0  }
0x14: {  	s2 =	sld [smem:$0x3F98];
	s0 =	simm.s32 @p1 $0x1  }
0x15: {  	[smem:$0x3FB5] =	sst s0;
	s0 =	simm.s32 @!p2 $0x0  }
0x16: {  	s3 =	sld [smem:$0x3FDB];
	s0 =	simm.s32 @p2 $0x1  }
0x17: {  	s4 =	simm.s32 $0x1BF5;
	[smem:$0x3FB7] =	sst s0  }
0x18: {  	s0 =	sld [smem:$0x3F9A];
	_ =	swait.ge [sflag:s4], $0x0  }
0x19: {  	s7 =	sld [smem:$0x3F9B]  }
0x1a: {  	s8 =	sadd.s32 $0xFFFFE003, lr  }
0x1b: {  	s9 =	sadd.s32 $0xFFFFFEF7, lr;
	s5 =	simm.s32 $0xFFFFFFFF;
	p2 =	slt.u32 s8, $0xFFFFF086  }
0x1c: {  	p1 =	slt.u32 s9, $0xF7A;
	s5 =	simm.s32 @!p2 $0x0  }
0x1d: {  	s5 =	simm.s32 @p1 $0x1;
	p0 =	seq.s32 s7, s2  }
0x1e: {  	s7 =	smul.u32 @!p0 $0xF7A, s2;
	p2 =	seq.s32 @!p0 s5, $0x0  }
0x1f: {  	s9 =	smul.u32 $0xF7A, s1;
	s8 =	simm.s32 @!p0 $0x1BF5;
	p2 =	por !p2, p0  }
0x20: {  	[sflag:s8] =	ssyncset.s32 @!p0 $0xFFFFF086;
	s6 =	sadd.s32 @!p0 s3, s7;
	s7 =	simm.s32 @!p0 $0x108  }
0x21: {  	s3 =	sadd.s32 s3, s9;
	s6 =	sadd.s32 @!p0 $0x88, s6;
	s7 =	simm.s32 @p2 $0x1082  }
0x22: {  	[simem:s7], [sflag:s8] =	dma.local @!p0 [hbm:s6], $0xF7A  }
0x23: {  	s9 =	sor.u32 $0xD0000000, s2;
	s6 =	simm.s32 $0x108;
	_ =	swait.ge @!p0 [sflag:s8], $0x0  }
0x24: {  	s3 =	sadd.s32 $0x88, s3;
	s6 =	simm.s32 @!p1 $0x1082;
	[sflag:s4] =	ssyncset.s32 $0xFFFFF086  }
0x25: {  	[simem:s6], [sflag:s4] =	dma.local [hbm:s3], $0xF7A  }
0x26: {  	[smem:$0x3F9B] =	sst s1;
	(tag) =	ssettag s2;
	_ =	strace s9  }
0x27: {  	s1 =	sld [smem:$0x3FAB]  }
0x28: {  	s2 =	sld [smem:$0x3FAC]  }
0x29: {  	s4 =	sld [smem:$0x3FAE]  }
0x2a: {  	p0 =	seq.s32 s5, $0x0;
	s5 =	sld [smem:$0x3FAF]  }
0x2b: {  	s6 =	sld [smem:$0x3FB0]  }
0x2c: {  	s7 =	sld [smem:$0x3FB1]  }
0x2d: {  	s3 =	simm.s32 $0x108;
	s8 =	sld [smem:$0x3FB2]  }
0x2e: {  	s3 =	simm.s32 @!p0 $0x1082;
	s9 =	sld [smem:$0x3FB3]  }
0x2f: {  	lr =	sadd.s32 s0, s3;
	s0 =	sld [smem:$0x3FAA]  }
0x30: {  	s3 =	sld [smem:$0x3FAD]  }
0x31: {  	[smem:$0x3FB6] =	sst s10  }
0x32: {  	s10 =	sld [smem:$0x3FB4];
	_ =	sdelay $0x3  }
0x33: {  	p0 =	seq.s32 s10, $0x1;
	s10 =	sld [smem:$0x3FB6];
	_ =	sdelay $0x3  }
0x34: {  	[smem:$0x3FB6] =	sst s10  }
0x35: {  	s10 =	sld [smem:$0x3FB5];
	_ =	sdelay $0x3  }
0x36: {  	p1 =	seq.s32 s10, $0x1;
	s10 =	sld [smem:$0x3FB6];
	_ =	sdelay $0x3  }
0x37: {  	[smem:$0x3FB6] =	sst s10  }
0x38: {  	s10 =	sld [smem:$0x3FB7]  }
0x39: {  	_ = 	snop;
	(pc) =	sbr.ind lr, $3  }
0x3a: {  	_ = 	snop  }
0x3b: {  	_ = 	snop  }
0x3c: {  	p2 =	seq.s32 s10, $0x1;
	s10 =	sld [smem:$0x3FB6]  }
0x3d: {  	_ =	shalt  }
0x3e: {  	_ =	shalt  }
0x3f: {  	_ =	shalt  }
0x40: {  	_ =	shalt  }
0x41: {  	_ =	shalt  }
0x42: {  	_ =	shalt  }
0x43: {  	_ =	shalt  }
0x44: {  	_ =	shalt  }
0x45: {  	_ =	shalt  }
0x46: {  	_ =	shalt  }
0x47: {  	_ =	shalt  }
0x48: {  	_ =	shalt  }
0x49: {  	_ =	shalt  }
0x4a: {  	_ =	shalt  }
0x4b: {  	_ =	shalt  }
0x4c: {  	_ =	shalt  }
0x4d: {  	_ =	shalt  }
0x4e: {  	_ =	shalt  }
0x4f: {  	_ =	shalt  }
0x50: {  	_ =	shalt  }
0x51: {  	_ =	shalt  }
0x52: {  	_ =	shalt  }
0x53: {  	_ =	shalt  }
0x54: {  	_ =	shalt  }
0x55: {  	_ =	shalt  }
0x56: {  	_ =	shalt  }
0x57: {  	_ =	shalt  }
0x58: {  	_ =	shalt  }
0x59: {  	_ =	shalt  }
0x5a: {  	_ =	shalt  }
0x5b: {  	_ =	shalt  }
0x5c: {  	_ =	shalt  }
0x5d: {  	_ =	shalt  }
0x5e: {  	_ =	shalt  }
0x5f: {  	_ =	shalt  }
0x60: {  	_ =	shalt  }
0x61: {  	_ =	shalt  }
0x62: {  	_ =	shalt  }
0x63: {  	_ =	shalt  }
0x64: {  	_ =	shalt  }
0x65: {  	_ =	shalt  }
0x66: {  	_ =	shalt  }
0x67: {  	_ =	shalt  }
0x68: {  	_ =	shalt  }
0x69: {  	_ =	shalt  }
0x6a: {  	_ =	shalt  }
0x6b: {  	_ =	shalt  }
0x6c: {  	_ =	shalt  }
0x6d: {  	_ =	shalt  }
0x6e: {  	_ =	shalt  }
0x6f: {  	_ =	shalt  }
0x70: {  	_ =	shalt  }
0x71: {  	_ =	shalt  }
0x72: {  	_ =	shalt  }
0x73: {  	_ =	shalt  }
0x74: {  	_ =	shalt  }
0x75: {  	_ =	shalt  }
0x76: {  	_ =	shalt  }
0x77: {  	_ =	shalt  }
0x78: {  	_ =	shalt  }
0x79: {  	_ =	shalt  }
0x7a: {  	_ =	shalt  }
0x7b: {  	_ =	shalt  }
0x7c: {  	_ =	shalt  }
0x7d: {  	_ =	shalt  }
0x7e: {  	_ =	shalt  }
0x7f: {  	_ =	shalt  }
0x80: {  	_ =	shalt  }
0x81: {  	_ =	shalt  }
0x82: {  	_ =	shalt  }
0x83: {  	_ =	shalt  }
0x84: {  	_ =	shalt  }
0x85: {  	_ =	shalt  }
0x86: {  	_ =	shalt  }
0x87: {  	_ =	shalt  }
.Lfunc_end0:
.L_simem_size_0:
called_computation.1_lowered:
.L_overlay_start_0:
0x88: {  	s2 =	sld [smem:$0x3FD9]  }
0x89: {  	s3 =	sld [smem:$0x3FFE];
	_ =	sdelay $0x1  }
0x8a: {  	s1 =	srdreg.scid  }
0x8b: {  	s0 =	sand.u32 $0x1, s1  }
0x8c: {  	s17 =	sshll.u32 s0, $0xA;
	s2 =	sadd.s32 s3, s2  }
0x8d: {  	s2 =	sadd.s32 s2, s17  }
0x8e: {  	[smem:$0x3FC2] =	sst s2  }
0x8f: {  	_ = 	snop  }
0x90: {  	s2 =	sld [smem:$0x3FD0];
	(tm) =	ssettm $0x1  }
0x91: {  	s18 =	sld [smem:$0x3FFB];
	_ =	sdelay $0x3  }
0x92: {  	_ =	strace s18  }
0x93: {  	s3 =	sld [smem:$0x3FFC];
	_ =	sdelay $0x3  }
0x94: {  	_ =	strace s3  }
0x95: {  	s3 =	sld [smem:$0x3FFD];
	_ =	sdelay $0x3  }
0x96: {  	_ =	strace s3  }
0x97: {  	_ =	strace $0x8FFFFFFF  }
0x98: {  	s19 =	sld [smem:$0x3FDB];
	_ =	sdelay $0x1  }
0x99: {  	s4 =	simm.s32 $_scs_section_size  }
0x9a: {  	s5 =	simm.s32 $_size__tile_overlayer_lowered;
	s6 =	simm.s32 $_tile_overlayer_lowered  }
0x9b: {  	s22 =	simm.s32 $0x1BFF;
	s21 =	sshll.u32 s6, $0x1;
	s3 =	sadd.s32 s4, s19  }
0x9c: {  	s7 =	simm.s32 $0x0;
	s20 =	sshll.u32 s5, $0x1;
	s5 =	sadd.s32 s21, s3  }
0x9d: {  	[timem:s7], [sflag:s22] =	dma.local [hbm:s5], s20  }
0x9e: {  	_ =	swait.ge [sflag:s22], s20  }
0x9f: {  	s4 =	ssub.s32 $0x0, s20;
	[sflag:s22] =	ssyncset.done $0x0  }
0xa0: {  	[sflag:s22] =	ssyncadd.s32 s4;
	_ =	sdelay $0x1  }
0xa1: {  	s23 =	simm.s32 $0x1B8B  }
0xa2: {  	_ =	swait.ge [sflag:s23], $0x1  }
0xa3: {  	[sflag:s23] =	ssyncset.done $0x0  }
0xa4: {  	s25 =	simm.s32 $0x1B8E;
	s24 =	sld [smem:$0x3FFE];
	[sflag:s23] =	ssyncadd.s32 $0xFFFFFFFF  }
0xa5: {  	s26 =	simm.s32 $execute0_lowered;
	[smem:$0x3FD2] =	sst s25  }
0xa6: {  	s5 =	sshll.u32 s26, $0x1;
	_ =	strace $0x80000049;
	[dreg:$0x1] =	wrdreg $0xFFFFFFFF  }
0xa7: {  	s28 =	simm.s32 $_size_execute0_lowered;
	s3 =	sadd.s32 s3, s5;
	[dreg:$0x0] =	wrdreg $0x0  }
0xa8: {  	s5 =	sshll.u32 s28, $0x1;
	[dreg:$0x2] =	wrdreg s3  }
0xa9: {  	[dreg:$0x3] =	wrdreg s5  }
0xaa: {  	[dreg:$0x4] =	wrdreg $0xC0  }
0xab: {  	_ =	task [dreg:s7], $0x5FFFF  }
0xac: {  	[dreg:$0x1] =	wrdreg $0xFFFFFFFF  }
0xad: {  	[dreg:$0x0] =	wrdreg $0x60  }
0xae: {  	[dreg:$0x2] =	wrdreg s2  }
0xaf: {  	[dreg:$0x3] =	wrdreg s24  }
0xb0: {  	[dreg:$0x4] =	wrdreg $0x90000  }
0xb1: {  	[dreg:$0x5] =	wrdreg $0x9  }
0xb2: {  	_ =	task.clear_ibuf [dreg:s7], $0x6FFFF;
	_ =	strace $0x90000049  }
0xb3: {  	s29 =	simm.s32 $0x9;
	_ =	strace $0x8000004B  }
0xb4: {  	_ =	swait.ge [sflag:s29], $0x1  }
0xb5: {  	[sflag:s29] =	ssyncadd.s32 $0xFFFFFFFF  }
0xb6: {  	_ =	strace $0x9000004B  }
0xb7: {  	_ =	sfence  }
0xb8: {  	s30 =	sld [smem:$0x0];
	_ =	sdelay $0x2  }
0xb9: {  	s31 =	sshll.u32 s1, $0xD;
	s1 =	sshrl.u32 s1, $0x2  }
0xba: {  	s3 =	sand.u32 $0x4000, s31;
	s1 =	sadd.s32 s1, s30  }
0xbb: {  	s0 =	sor.u32 s3, s0;
	s1 =	sshll.u32 s1, $0x11  }
0xbc: {  	s0 =	sor.u32 s1, s0  }
0xbd: {  	s0 =	sadd.s32 $0x8F2B, s0  }
0xbe: {  	[sflag:s0] =	ssyncadd.remote.s32 $0x1  }
0xbf: {  	_ =	sfence.sel $0xFFFF  }
0xc0: {  	[dreg:$0x0] =	wrdreg $0xFFFFFFFF;
	(pc) =	sbr.abs _section_cstart, $3  }
0xc1: {  	[dreg:$0x1] =	wrdreg $0xFFFFFFFF  }
0xc2: {  	_ =	task.clear_ibuf [dreg:s7], $0x2FFFF;
	_ =	strace $0x9FFFFFFF  }
0xc3: {  	(tm) =	ssettm $0x7FFFFFFF  }
tec
execute0_lowered:
.L_overlay_start_1:
0x0: {  	(tag) =	ssettag $0x1  }
0x1: {  	s1 =	rddreg [dreg:$0x0]  }
0x2: {  	s6 =	rddreg [dreg:$0x1]  }
0x3: {  	s0 =	srdreg.scid;
	s3 =	rddreg [dreg:$0x2]  }
0x4: {  	s2 =	rddreg [dreg:$0x3];
	s5 =	sand.u32 $0x1, s0  }
0x5: {  	s4 =	simm.s32 $0x0;
	s0 =	stileid.u32;
	s7 =	smul.u32 $0x28000, s5  }
0x6: {  	s14 =	simm.s32 $0x5000;
	s15 =	simm.s32 $0x2;
	s8 =	smul.u32 $0x2800, s0  }
0x7: {  	s16 =	simm.s32 $0x2800;
	s17 =	simm.s32 $0x80;
	s9 =	smul.u32 $0x13C000, s5  }
0x8: {  	s18 =	simm.s32 $0x1;
	[smem:$0x7FF] =	sst s4;
	s26 =	smul.u32 $0x13C00, s0  }
0x9: {  	s10 =	smul.u32 $0x4F000, s0;
	s29 =	ssub.s32 $0x2, s5;
	s19 =	sshll.u32 s0, $0x6  }
0xa: {  	_ =	strace $0x8000004A;
	s31 =	sshrl.u32 s29, $0x1;
	s19 =	sor.u32 $0x1C02, s19  }
0xb: {  	s7 =	sadd.s32 s8, s7;
	s28 =	sadd.s32 s26, s9;
	s30 =	sshrl.u32 s10, $0x2  }
0xc: {  	s13 =	ssub.s32 s29, s31;
	s7 =	sshrl.u32 s7, $0x3;
	s5 =	sadd.s32 s30, s3  }
0xd: {  	s13 =	smax.u32 s13, $0x1;
	s11 =	sadd.s32 s7, s6;
	s7 =	sshrl.u32 s28, $0x3  }
0xe: {  	s8 =	sadd.s32 $0xC000, s5;
	s9 =	sadd.s32 $0x10000, s5;
	s20 =	sshrl.u32 s5, $0x3  }
0xf: {  	s12 =	sadd.s32 s7, s6;
	s6 =	sadd.s32 $0x4000, s5;
	s7 =	sadd.s32 $0x8000, s5  }
0x10: {  	v0 =	vimm.f32 $0.0e+00;
	s10 =	sadd.s32 $0x1A00, s11;
	s11 =	sadd.s32 $0xBA00, s11;
	s12 =	sadd.s32 $0x15A00, s12  }
.LBB2_1:
0x11: {  	s21 =	simm.s32 $0x0;
	s22 =	simm.s32 $0x200  }
.LBB2_2:
0x12: {  	p0 =	sne.s32 s22, $0xFE00;
	[tilespmem:s21+$0x5070] =	vst v0  }
0x13: {  	[tilespmem:s21+$0x5000] =	vst v0  }
0x14: {  	[tilespmem:s21+$0x5010] =	vst v0  }
.Ltmp0:
0x15: {  	[tilespmem:s21+$0x5020] =	vst v0;
	(pc) =	sbr.rel @p0 .LBB2_2-.Ltmp0, $4  }
0x16: {  	[tilespmem:s21+$0x5030] =	vst v0  }
0x17: {  	[tilespmem:s21+$0x5040] =	vst v0  }
0x18: {  	[tilespmem:s21+$0x5050] =	vst v0  }
0x19: {  	[tilespmem:s21+$0x5060] =	vst v0;
	s21 =	sshra.s32 s22, $0x2;
	s22 =	sadd.s32 $0x200, s22  }
0x1a: {  	[tilespmem:s21+$0x5070] =	vst v0  }
0x1b: {  	[tilespmem:s21+$0x5000] =	vst v0  }
0x1c: {  	[tilespmem:s21+$0x5010] =	vst v0  }
0x1d: {  	[tilespmem:s21+$0x5020] =	vst v0  }
0x1e: {  	[tilespmem:s21+$0x5030] =	vst v0  }
0x1f: {  	[tilespmem:s21+$0x5040] =	vst v0  }
0x20: {  	[tilespmem:s21+$0x5050] =	vst v0  }
0x21: {  	[tilespmem:s21+$0x5060] =	vst v0  }
0x22: {  	[spmem:s5] =	stream.linear.scatter [tilespmem:s14], [sflag:$0x2], $0x4000, $0x38;
	[tilespmem:$0x1CC00] =	vst v63  }
0x23: {  	_ =	swait.ge [sflag:s15], $0x4000  }
0x24: {  	[sflag:s15] =	ssyncset.done $0x0  }
0x25: {  	[sflag:s15] =	ssyncadd.s32 $0xFFFFC000  }
0x26: {  	[spmem:s6] =	stream.linear.scatter [tilespmem:s14], [sflag:$0x2], $0x4000, $0x38;
	[tilespmem:$0x1CC00] =	vst v63  }
0x27: {  	_ =	swait.ge [sflag:s15], $0x4000  }
0x28: {  	[sflag:s15] =	ssyncset.done $0x0  }
0x29: {  	[sflag:s15] =	ssyncadd.s32 $0xFFFFC000  }
0x2a: {  	[spmem:s7] =	stream.linear.scatter [tilespmem:s14], [sflag:$0x2], $0x4000, $0x38;
	[tilespmem:$0x1CC00] =	vst v63  }
0x2b: {  	_ =	swait.ge [sflag:s15], $0x4000  }
0x2c: {  	[sflag:s15] =	ssyncset.done $0x0  }
0x2d: {  	[sflag:s15] =	ssyncadd.s32 $0xFFFFC000  }
0x2e: {  	[spmem:s8] =	stream.linear.scatter [tilespmem:s14], [sflag:$0x2], $0x4000, $0x38;
	[tilespmem:$0x1CC00] =	vst v63  }
0x2f: {  	_ =	swait.ge [sflag:s15], $0x4000  }
0x30: {  	[sflag:s15] =	ssyncset.done $0x0  }
0x31: {  	[sflag:s15] =	ssyncadd.s32 $0xFFFFC000  }
0x32: {  	[spmem:s9] =	stream.linear.scatter [tilespmem:s14], [sflag:$0x2], $0x3C00, $0x38;
	[tilespmem:$0x1CC00] =	vst v63  }
0x33: {  	_ =	swait.ge [sflag:s15], $0x3C00  }
0x34: {  	[sflag:s15] =	ssyncset.done $0x0  }
0x35: {  	s29 =	simm.s32 $0x0;
	[sflag:s15] =	ssyncadd.s32 $0xFFFFC400  }
0x36: {  	[tilespmem:s29], [sflag:$0x2] =	stream.linear.gather [hbm4b:s10+s29], $0x2780, $0x38;
	[tilespmem:$0x1CC00] =	vst v63  }
0x37: {  	_ =	swait.ge [sflag:s15], $0x2780  }
0x38: {  	[sflag:s15] =	ssyncset.done $0x0  }
0x39: {  	[sflag:s15] =	ssyncadd.s32 $0xFFFFD880  }
0x3a: {  	[tilespmem:s16], [sflag:$0x2] =	stream.linear.gather [hbm4b:s11+s29], $0x2780, $0x38;
	[tilespmem:$0x1CC00] =	vst v63  }
0x3b: {  	_ =	swait.ge [sflag:s15], $0x2780  }
0x3c: {  	[sflag:s15] =	ssyncset.done $0x0  }
0x3d: {  	[sflag:s15] =	ssyncadd.s32 $0xFFFFD880  }
0x3e: {  	s30 =	simm.s32 $0x0;
	[bflag:$0x0] =	sbarrier.arrive $0xFFFF  }
0x3f: {  	[tilespmem:s14], [sflag:$0x1] =	stream.indirect.gather [hbm4b:s1+s17], $0x80, s30, s17, $0xb8;
	[tilespmem:$0x1CC00] =	vst v63  }
0x40: {  	_ =	swait.ge [sflag:s18], $0x4000  }
0x41: {  	[sflag:s18] =	ssyncset.done $0x0  }
0x42: {  	s31 =	simm.s32 $0x2800;
	[sflag:s18] =	ssyncadd.s32 $0xFFFFC000  }
0x43: {  	[spmem:s3] =	stream.indirect.scatter.add.f32 [tilespmem:s14], [sflag:$0x2], $0x80, s31, s17, $0xb8;
	[tilespmem:$0x1CC00] =	vst v63  }
0x44: {  	_ =	swait.ge [sflag:s15], $0x4000  }
0x45: {  	s21 =	simm.s32 $0x200;
	s22 =	simm.s32 $0x400;
	[sflag:s15] =	ssyncset.done $0x0  }
.LBB2_4:
0x46: {  	s23 =	sshra.s32 s21, $0x2  }
0x47: {  	[sflag:s15] =	ssyncadd.s32 $0xFFFFC000;
	s21 =	smov.u32 s22;
	s24 =	sadd.s32 $0x200, s22  }
0x48: {  	[tilespmem:s14], [sflag:$0x1] =	stream.indirect.gather [hbm4b:s1+s17], $0x80, s23, s17, $0xb8;
	[tilespmem:$0x1CC00] =	vst v63  }
0x49: {  	p0 =	sne.s32 s22, $0x9C00;
	_ =	swait.ge [sflag:s18], $0x4000  }
.Ltmp1:
0x4a: {  	[sflag:s18] =	ssyncset.done $0x0;
	(pc) =	sbr.rel @p0 .LBB2_4-.Ltmp1, $4  }
0x4b: {  	s22 =	sadd.s32 $0x2800, s23;
	[sflag:s18] =	ssyncadd.s32 $0xFFFFC000  }
0x4c: {  	[spmem:s3] =	stream.indirect.scatter.add.f32 [tilespmem:s14], [sflag:$0x2], $0x80, s22, s17, $0xb8;
	[tilespmem:$0x1CC00] =	vst v63  }
0x4d: {  	_ =	swait.ge [sflag:s15], $0x4000  }
0x4e: {  	s22 =	smov.u32 s24;
	[sflag:s15] =	ssyncset.done $0x0  }
0x4f: {  	s21 =	sshra.s32 s21, $0x2;
	[sflag:s15] =	ssyncadd.s32 $0xFFFFC000  }
0x50: {  	[tilespmem:s14], [sflag:$0x1] =	stream.indirect.gather [hbm4b:s1+s17], $0x80, s21, s17, $0xb8;
	[tilespmem:$0x1CC00] =	vst v63  }
0x51: {  	_ =	swait.ge [sflag:s18], $0x4000  }
0x52: {  	[sflag:s18] =	ssyncset.done $0x0  }
0x53: {  	s21 =	sadd.s32 $0x2800, s21;
	[sflag:s18] =	ssyncadd.s32 $0xFFFFC000  }
0x54: {  	[spmem:s3] =	stream.indirect.scatter.add.f32 [tilespmem:s14], [sflag:$0x2], $0x80, s21, s17, $0xb8;
	[tilespmem:$0x1CC00] =	vst v63  }
0x55: {  	_ =	swait.ge [sflag:s15], $0x4000  }
0x56: {  	s4 =	sadd.s32 $0x1, s4;
	[sflag:s15] =	ssyncset.done $0x0  }
0x57: {  	p0 =	sne.s32 s4, s13;
	[sflag:s15] =	ssyncadd.s32 $0xFFFFC000  }
.Ltmp2:
0x58: {  	[bflag:$0x0] =	sbarrier.arrive $0xFFFF;
	(pc) =	sbr.rel @p0 .LBB2_1-.Ltmp2, $4  }
0x59: {  	[hbm:s12], [sflag:s19] =	dma.local [spmem:s20], $0x2780  }
0x5a: {  	_ =	swait.ge [sflag:s15], $0x2780  }
0x5b: {  	[sflag:s15] =	ssyncset.done $0x0  }
0x5c: {  	[sflag:s15] =	ssyncadd.s32 $0xFFFFD880  }
0x5d: {  	_ =	sfence.sel $0x180000  }
0x5e: {  	[bflag:$0x0] =	sbarrier.arrive $0xFFFF  }
0x5f: {  	p0 =	sne.s32 s0, $0x0;
	_ =	strace $0x9000004A  }
0x60: {  	s0 =	sadd.s32 @!p0 $0x100000, s2;
	[bflag:$0x2] =	sbarrier.arrive $0xFFFF  }
0x61: {  	[sflag:s0] =	ssyncadd.tile.s32 @!p0 $0x1;
	_ =	shalt  }
.Lfunc_end2:
_tile_overlayer_lowered:
.L_overlay_start_2:
0x62: {  	(tag) =	ssettag $0x2  }
0x63: {  	s0 =	rddreg [dreg:$0x0];
	s2 =	stileid.u32  }
0x64: {  	s1 =	rddreg [dreg:$0x1];
	p0 =	sne.s32 s2, $0x0  }
0x65: {  	s3 =	rddreg [dreg:$0x2];
	[bflag:$0x3] =	sbarrier.arrive $0xFFFF;
	s2 =	simm.s32 @!p0 $0x1C02  }
0x66: {  	[timem:s3], [sflag:s2] =	dma.local @!p0 [hbm:s0], s1  }
0x67: {  	s0 =	simm.s32 @!p0 $0x2  }
0x68: {  	_ =	swait.ge @!p0 [sflag:s0], s1  }
0x69: {  	s1 =	ssub.s32 @!p0 $0x0, s1;
	[sflag:s0] =	ssyncset.done @!p0 $0x0  }
0x6a: {  	[sflag:s0] =	ssyncadd.s32 @!p0 s1  }
0x6b: {  	[bflag:$0x3] =	sbarrier.arrive $0xFFFF  }
0x6c: {  	_ =	shalt  }

// kernel: kernel.7.cloned.1.call-start
scs
__scs_entry_jumppad:
0x0: {  	(pc) =	sbr.rel $0x88, $3  }
0x1: {  	(tag) =	ssettag $0x0;
	lr =	simm.s32 $0x1  }
0x2: {  	[smem:$0x3F9B] =	sst lr;
	_ =	strace $0xD0000000  }
0x3: {  	_ = 	snop  }
0x4: {  	_ = 	snop  }
0x5: {  	_ = 	snop  }
0x6: {  	_ = 	snop  }
0x7: {  	_ = 	snop  }
__scs_overlays_trampoline_lowered:
0x8: {  	[smem:$0x3FAA] =	sst s0  }
0x9: {  	[smem:$0x3FAB] =	sst s1  }
0xa: {  	[smem:$0x3FAC] =	sst s2  }
0xb: {  	[smem:$0x3FAD] =	sst s3  }
0xc: {  	[smem:$0x3FAE] =	sst s4  }
0xd: {  	[smem:$0x3FAF] =	sst s5  }
0xe: {  	[smem:$0x3FB0] =	sst s6  }
0xf: {  	[smem:$0x3FB1] =	sst s7  }
0x10: {  	[smem:$0x3FB2] =	sst s8  }
0x11: {  	[smem:$0x3FB3] =	sst s9;
	s0 =	simm.s32 @!p0 $0x0  }
0x12: {  	s1 =	sld [smem:$0x3F99];
	s0 =	simm.s32 @p0 $0x1  }
0x13: {  	[smem:$0x3FB4] =	sst s0;
	s0 =	simm.s32 @!p1 $0x0  }
0x14: {  	s2 =	sld [smem:$0x3F98];
	s0 =	simm.s32 @p1 $0x1  }
0x15: {  	[smem:$0x3FB5] =	sst s0;
	s0 =	simm.s32 @!p2 $0x0  }
0x16: {  	s3 =	sld [smem:$0x3FDB];
	s0 =	simm.s32 @p2 $0x1  }
0x17: {  	s4 =	simm.s32 $0x1BF5;
	[smem:$0x3FB7] =	sst s0  }
0x18: {  	s0 =	sld [smem:$0x3F9A];
	_ =	swait.ge [sflag:s4], $0x0  }
0x19: {  	s7 =	sld [smem:$0x3F9B]  }
0x1a: {  	s8 =	sadd.s32 $0xFFFFE003, lr  }
0x1b: {  	s9 =	sadd.s32 $0xFFFFFEF7, lr;
	s5 =	simm.s32 $0xFFFFFFFF;
	p2 =	slt.u32 s8, $0xFFFFF086  }
0x1c: {  	p1 =	slt.u32 s9, $0xF7A;
	s5 =	simm.s32 @!p2 $0x0  }
0x1d: {  	s5 =	simm.s32 @p1 $0x1;
	p0 =	seq.s32 s7, s2  }
0x1e: {  	s7 =	smul.u32 @!p0 $0xF7A, s2;
	p2 =	seq.s32 @!p0 s5, $0x0  }
0x1f: {  	s9 =	smul.u32 $0xF7A, s1;
	s8 =	simm.s32 @!p0 $0x1BF5;
	p2 =	por !p2, p0  }
0x20: {  	[sflag:s8] =	ssyncset.s32 @!p0 $0xFFFFF086;
	s6 =	sadd.s32 @!p0 s3, s7;
	s7 =	simm.s32 @!p0 $0x108  }
0x21: {  	s3 =	sadd.s32 s3, s9;
	s6 =	sadd.s32 @!p0 $0x88, s6;
	s7 =	simm.s32 @p2 $0x1082  }
0x22: {  	[simem:s7], [sflag:s8] =	dma.local @!p0 [hbm:s6], $0xF7A  }
0x23: {  	s9 =	sor.u32 $0xD0000000, s2;
	s6 =	simm.s32 $0x108;
	_ =	swait.ge @!p0 [sflag:s8], $0x0  }
0x24: {  	s3 =	sadd.s32 $0x88, s3;
	s6 =	simm.s32 @!p1 $0x1082;
	[sflag:s4] =	ssyncset.s32 $0xFFFFF086  }
0x25: {  	[simem:s6], [sflag:s4] =	dma.local [hbm:s3], $0xF7A  }
0x26: {  	[smem:$0x3F9B] =	sst s1;
	(tag) =	ssettag s2;
	_ =	strace s9  }
0x27: {  	s1 =	sld [smem:$0x3FAB]  }
0x28: {  	s2 =	sld [smem:$0x3FAC]  }
0x29: {  	s4 =	sld [smem:$0x3FAE]  }
0x2a: {  	p0 =	seq.s32 s5, $0x0;
	s5 =	sld [smem:$0x3FAF]  }
0x2b: {  	s6 =	sld [smem:$0x3FB0]  }
0x2c: {  	s7 =	sld [smem:$0x3FB1]  }
0x2d: {  	s3 =	simm.s32 $0x108;
	s8 =	sld [smem:$0x3FB2]  }
0x2e: {  	s3 =	simm.s32 @!p0 $0x1082;
	s9 =	sld [smem:$0x3FB3]  }
0x2f: {  	lr =	sadd.s32 s0, s3;
	s0 =	sld [smem:$0x3FAA]  }
0x30: {  	s3 =	sld [smem:$0x3FAD]  }
0x31: {  	[smem:$0x3FB6] =	sst s10  }
0x32: {  	s10 =	sld [smem:$0x3FB4];
	_ =	sdelay $0x3  }
0x33: {  	p0 =	seq.s32 s10, $0x1;
	s10 =	sld [smem:$0x3FB6];
	_ =	sdelay $0x3  }
0x34: {  	[smem:$0x3FB6] =	sst s10  }
0x35: {  	s10 =	sld [smem:$0x3FB5];
	_ =	sdelay $0x3  }
0x36: {  	p1 =	seq.s32 s10, $0x1;
	s10 =	sld [smem:$0x3FB6];
	_ =	sdelay $0x3  }
0x37: {  	[smem:$0x3FB6] =	sst s10  }
0x38: {  	s10 =	sld [smem:$0x3FB7]  }
0x39: {  	_ = 	snop;
	(pc) =	sbr.ind lr, $3  }
0x3a: {  	_ = 	snop  }
0x3b: {  	_ = 	snop  }
0x3c: {  	p2 =	seq.s32 s10, $0x1;
	s10 =	sld [smem:$0x3FB6]  }
0x3d: {  	_ =	shalt  }
0x3e: {  	_ =	shalt  }
0x3f: {  	_ =	shalt  }
0x40: {  	_ =	shalt  }
0x41: {  	_ =	shalt  }
0x42: {  	_ =	shalt  }
0x43: {  	_ =	shalt  }
0x44: {  	_ =	shalt  }
0x45: {  	_ =	shalt  }
0x46: {  	_ =	shalt  }
0x47: {  	_ =	shalt  }
0x48: {  	_ =	shalt  }
0x49: {  	_ =	shalt  }
0x4a: {  	_ =	shalt  }
0x4b: {  	_ =	shalt  }
0x4c: {  	_ =	shalt  }
0x4d: {  	_ =	shalt  }
0x4e: {  	_ =	shalt  }
0x4f: {  	_ =	shalt  }
0x50: {  	_ =	shalt  }
0x51: {  	_ =	shalt  }
0x52: {  	_ =	shalt  }
0x53: {  	_ =	shalt  }
0x54: {  	_ =	shalt  }
0x55: {  	_ =	shalt  }
0x56: {  	_ =	shalt  }
0x57: {  	_ =	shalt  }
0x58: {  	_ =	shalt  }
0x59: {  	_ =	shalt  }
0x5a: {  	_ =	shalt  }
0x5b: {  	_ =	shalt  }
0x5c: {  	_ =	shalt  }
0x5d: {  	_ =	shalt  }
0x5e: {  	_ =	shalt  }
0x5f: {  	_ =	shalt  }
0x60: {  	_ =	shalt  }
0x61: {  	_ =	shalt  }
0x62: {  	_ =	shalt  }
0x63: {  	_ =	shalt  }
0x64: {  	_ =	shalt  }
0x65: {  	_ =	shalt  }
0x66: {  	_ =	shalt  }
0x67: {  	_ =	shalt  }
0x68: {  	_ =	shalt  }
0x69: {  	_ =	shalt  }
0x6a: {  	_ =	shalt  }
0x6b: {  	_ =	shalt  }
0x6c: {  	_ =	shalt  }
0x6d: {  	_ =	shalt  }
0x6e: {  	_ =	shalt  }
0x6f: {  	_ =	shalt  }
0x70: {  	_ =	shalt  }
0x71: {  	_ =	shalt  }
0x72: {  	_ =	shalt  }
0x73: {  	_ =	shalt  }
0x74: {  	_ =	shalt  }
0x75: {  	_ =	shalt  }
0x76: {  	_ =	shalt  }
0x77: {  	_ =	shalt  }
0x78: {  	_ =	shalt  }
0x79: {  	_ =	shalt  }
0x7a: {  	_ =	shalt  }
0x7b: {  	_ =	shalt  }
0x7c: {  	_ =	shalt  }
0x7d: {  	_ =	shalt  }
0x7e: {  	_ =	shalt  }
0x7f: {  	_ =	shalt  }
0x80: {  	_ =	shalt  }
0x81: {  	_ =	shalt  }
0x82: {  	_ =	shalt  }
0x83: {  	_ =	shalt  }
0x84: {  	_ =	shalt  }
0x85: {  	_ =	shalt  }
0x86: {  	_ =	shalt  }
0x87: {  	_ =	shalt  }
.Lfunc_end0:
.L_simem_size_0:
called_computation_lowered:
.L_overlay_start_0:
0x88: {  	s2 =	sld [smem:$0x3FD9]  }
0x89: {  	s3 =	sld [smem:$0x3FFE];
	_ =	sdelay $0x1  }
0x8a: {  	s1 =	srdreg.scid  }
0x8b: {  	s0 =	sand.u32 $0x1, s1  }
0x8c: {  	s17 =	sshll.u32 s0, $0xA;
	s2 =	sadd.s32 s3, s2  }
0x8d: {  	s2 =	sadd.s32 s2, s17  }
0x8e: {  	[smem:$0x3FC2] =	sst s2  }
0x8f: {  	_ = 	snop  }
0x90: {  	s2 =	sld [smem:$0x3FD0];
	(tm) =	ssettm $0x1  }
0x91: {  	s18 =	sld [smem:$0x3FFB];
	_ =	sdelay $0x3  }
0x92: {  	_ =	strace s18  }
0x93: {  	s3 =	sld [smem:$0x3FFC];
	_ =	sdelay $0x3  }
0x94: {  	_ =	strace s3  }
0x95: {  	s3 =	sld [smem:$0x3FFD];
	_ =	sdelay $0x3  }
0x96: {  	_ =	strace s3  }
0x97: {  	_ =	strace $0x8FFFFFFF  }
0x98: {  	s19 =	sld [smem:$0x3FDB];
	_ =	sdelay $0x1  }
0x99: {  	s4 =	simm.s32 $_scs_section_size  }
0x9a: {  	s5 =	simm.s32 $_size__tile_overlayer_lowered;
	s6 =	simm.s32 $_tile_overlayer_lowered  }
0x9b: {  	s22 =	simm.s32 $0x1BFF;
	s21 =	sshll.u32 s6, $0x1;
	s3 =	sadd.s32 s4, s19  }
0x9c: {  	s7 =	simm.s32 $0x0;
	s20 =	sshll.u32 s5, $0x1;
	s5 =	sadd.s32 s21, s3  }
0x9d: {  	[timem:s7], [sflag:s22] =	dma.local [hbm:s5], s20  }
0x9e: {  	_ =	swait.ge [sflag:s22], s20  }
0x9f: {  	s4 =	ssub.s32 $0x0, s20;
	[sflag:s22] =	ssyncset.done $0x0  }
0xa0: {  	[sflag:s22] =	ssyncadd.s32 s4;
	_ =	sdelay $0x1  }
0xa1: {  	s23 =	simm.s32 $0x1B8B  }
0xa2: {  	_ =	swait.ge [sflag:s23], $0x1  }
0xa3: {  	[sflag:s23] =	ssyncset.done $0x0  }
0xa4: {  	s25 =	simm.s32 $0x1B8E;
	s24 =	sld [smem:$0x3FFE];
	[sflag:s23] =	ssyncadd.s32 $0xFFFFFFFF  }
0xa5: {  	s26 =	simm.s32 $execute0_lowered;
	[smem:$0x3FD2] =	sst s25  }
0xa6: {  	s5 =	sshll.u32 s26, $0x1;
	_ =	strace $0x80000046;
	[dreg:$0x1] =	wrdreg $0xFFFFFFFF  }
0xa7: {  	s28 =	simm.s32 $_size_execute0_lowered;
	s3 =	sadd.s32 s3, s5;
	[dreg:$0x0] =	wrdreg $0x0  }
0xa8: {  	s5 =	sshll.u32 s28, $0x1;
	[dreg:$0x2] =	wrdreg s3  }
0xa9: {  	[dreg:$0x3] =	wrdreg s5  }
0xaa: {  	[dreg:$0x4] =	wrdreg $0xC0  }
0xab: {  	_ =	task [dreg:s7], $0x5FFFF  }
0xac: {  	[dreg:$0x1] =	wrdreg $0xFFFFFFFF  }
0xad: {  	[dreg:$0x0] =	wrdreg $0x60  }
0xae: {  	[dreg:$0x2] =	wrdreg s2  }
0xaf: {  	[dreg:$0x3] =	wrdreg s24  }
0xb0: {  	[dreg:$0x4] =	wrdreg $0x90000  }
0xb1: {  	[dreg:$0x5] =	wrdreg $0x9  }
0xb2: {  	_ =	task.clear_ibuf [dreg:s7], $0x6FFFF;
	_ =	strace $0x90000046  }
0xb3: {  	s29 =	simm.s32 $0x9;
	_ =	strace $0x80000048  }
0xb4: {  	_ =	swait.ge [sflag:s29], $0x1  }
0xb5: {  	[sflag:s29] =	ssyncadd.s32 $0xFFFFFFFF  }
0xb6: {  	_ =	strace $0x90000048  }
0xb7: {  	_ =	sfence  }
0xb8: {  	s30 =	sld [smem:$0x0];
	_ =	sdelay $0x2  }
0xb9: {  	s31 =	sshll.u32 s1, $0xD;
	s1 =	sshrl.u32 s1, $0x2  }
0xba: {  	s3 =	sand.u32 $0x4000, s31;
	s1 =	sadd.s32 s1, s30  }
0xbb: {  	s0 =	sor.u32 s3, s0;
	s1 =	sshll.u32 s1, $0x11  }
0xbc: {  	s0 =	sor.u32 s1, s0  }
0xbd: {  	s0 =	sadd.s32 $0x8F2B, s0  }
0xbe: {  	[sflag:s0] =	ssyncadd.remote.s32 $0x1  }
0xbf: {  	_ =	sfence.sel $0xFFFF  }
0xc0: {  	[dreg:$0x0] =	wrdreg $0xFFFFFFFF;
	(pc) =	sbr.abs _section_cstart, $3  }
0xc1: {  	[dreg:$0x1] =	wrdreg $0xFFFFFFFF  }
0xc2: {  	_ =	task.clear_ibuf [dreg:s7], $0x2FFFF;
	_ =	strace $0x9FFFFFFF  }
0xc3: {  	(tm) =	ssettm $0x7FFFFFFF  }
tec
execute0_lowered:
.L_overlay_start_1:
0x0: {  	(tag) =	ssettag $0x1  }
0x1: {  	s1 =	rddreg [dreg:$0x0]  }
0x2: {  	s6 =	rddreg [dreg:$0x1]  }
0x3: {  	s0 =	srdreg.scid;
	s3 =	rddreg [dreg:$0x2]  }
0x4: {  	s2 =	rddreg [dreg:$0x3];
	s5 =	sand.u32 $0x1, s0  }
0x5: {  	s4 =	simm.s32 $0x0;
	s0 =	stileid.u32;
	s7 =	smul.u32 $0x28000, s5  }
0x6: {  	s14 =	simm.s32 $0x5000;
	s15 =	simm.s32 $0x2;
	s8 =	smul.u32 $0x2800, s0  }
0x7: {  	s16 =	simm.s32 $0x2800;
	s17 =	simm.s32 $0x80;
	s9 =	smul.u32 $0x13C000, s5  }
0x8: {  	s18 =	simm.s32 $0x1;
	[smem:$0x7FF] =	sst s4;
	s26 =	smul.u32 $0x13C00, s0  }
0x9: {  	s10 =	smul.u32 $0x4F000, s0;
	s29 =	ssub.s32 $0x2, s5;
	s19 =	sshll.u32 s0, $0x6  }
0xa: {  	_ =	strace $0x80000047;
	s31 =	sshrl.u32 s29, $0x1;
	s19 =	sor.u32 $0x1C02, s19  }
0xb: {  	s7 =	sadd.s32 s8, s7;
	s28 =	sadd.s32 s26, s9;
	s30 =	sshrl.u32 s10, $0x2  }
0xc: {  	s13 =	ssub.s32 s29, s31;
	s7 =	sshrl.u32 s7, $0x3;
	s5 =	sadd.s32 s30, s3  }
0xd: {  	s13 =	smax.u32 s13, $0x1;
	s11 =	sadd.s32 s7, s6;
	s7 =	sshrl.u32 s28, $0x3  }
0xe: {  	s8 =	sadd.s32 $0xC000, s5;
	s9 =	sadd.s32 $0x10000, s5;
	s20 =	sshrl.u32 s5, $0x3  }
0xf: {  	s12 =	sadd.s32 s7, s6;
	s6 =	sadd.s32 $0x4000, s5;
	s7 =	sadd.s32 $0x8000, s5  }
0x10: {  	v0 =	vimm.f32 $0.0e+00;
	s10 =	sadd.s32 $0x1A00, s11;
	s11 =	sadd.s32 $0xBA00, s11;
	s12 =	sadd.s32 $0x15A00, s12  }
.LBB2_1:
0x11: {  	s21 =	simm.s32 $0x0;
	s22 =	simm.s32 $0x200  }
.LBB2_2:
0x12: {  	p0 =	sne.s32 s22, $0xFE00;
	[tilespmem:s21+$0x5070] =	vst v0  }
0x13: {  	[tilespmem:s21+$0x5000] =	vst v0  }
0x14: {  	[tilespmem:s21+$0x5010] =	vst v0  }
.Ltmp0:
0x15: {  	[tilespmem:s21+$0x5020] =	vst v0;
	(pc) =	sbr.rel @p0 .LBB2_2-.Ltmp0, $4  }
0x16: {  	[tilespmem:s21+$0x5030] =	vst v0  }
0x17: {  	[tilespmem:s21+$0x5040] =	vst v0  }
0x18: {  	[tilespmem:s21+$0x5050] =	vst v0  }
0x19: {  	[tilespmem:s21+$0x5060] =	vst v0;
	s21 =	sshra.s32 s22, $0x2;
	s22 =	sadd.s32 $0x200, s22  }
0x1a: {  	[tilespmem:s21+$0x5070] =	vst v0  }
0x1b: {  	[tilespmem:s21+$0x5000] =	vst v0  }
0x1c: {  	[tilespmem:s21+$0x5010] =	vst v0  }
0x1d: {  	[tilespmem:s21+$0x5020] =	vst v0  }
0x1e: {  	[tilespmem:s21+$0x5030] =	vst v0  }
0x1f: {  	[tilespmem:s21+$0x5040] =	vst v0  }
0x20: {  	[tilespmem:s21+$0x5050] =	vst v0  }
0x21: {  	[tilespmem:s21+$0x5060] =	vst v0  }
0x22: {  	[spmem:s5] =	stream.linear.scatter [tilespmem:s14], [sflag:$0x2], $0x4000, $0x38;
	[tilespmem:$0x1CC00] =	vst v63  }
0x23: {  	_ =	swait.ge [sflag:s15], $0x4000  }
0x24: {  	[sflag:s15] =	ssyncset.done $0x0  }
0x25: {  	[sflag:s15] =	ssyncadd.s32 $0xFFFFC000  }
0x26: {  	[spmem:s6] =	stream.linear.scatter [tilespmem:s14], [sflag:$0x2], $0x4000, $0x38;
	[tilespmem:$0x1CC00] =	vst v63  }
0x27: {  	_ =	swait.ge [sflag:s15], $0x4000  }
0x28: {  	[sflag:s15] =	ssyncset.done $0x0  }
0x29: {  	[sflag:s15] =	ssyncadd.s32 $0xFFFFC000  }
0x2a: {  	[spmem:s7] =	stream.linear.scatter [tilespmem:s14], [sflag:$0x2], $0x4000, $0x38;
	[tilespmem:$0x1CC00] =	vst v63  }
0x2b: {  	_ =	swait.ge [sflag:s15], $0x4000  }
0x2c: {  	[sflag:s15] =	ssyncset.done $0x0  }
0x2d: {  	[sflag:s15] =	ssyncadd.s32 $0xFFFFC000  }
0x2e: {  	[spmem:s8] =	stream.linear.scatter [tilespmem:s14], [sflag:$0x2], $0x4000, $0x38;
	[tilespmem:$0x1CC00] =	vst v63  }
0x2f: {  	_ =	swait.ge [sflag:s15], $0x4000  }
0x30: {  	[sflag:s15] =	ssyncset.done $0x0  }
0x31: {  	[sflag:s15] =	ssyncadd.s32 $0xFFFFC000  }
0x32: {  	[spmem:s9] =	stream.linear.scatter [tilespmem:s14], [sflag:$0x2], $0x3C00, $0x38;
	[tilespmem:$0x1CC00] =	vst v63  }
0x33: {  	_ =	swait.ge [sflag:s15], $0x3C00  }
0x34: {  	[sflag:s15] =	ssyncset.done $0x0  }
0x35: {  	s29 =	simm.s32 $0x0;
	[sflag:s15] =	ssyncadd.s32 $0xFFFFC400  }
0x36: {  	[tilespmem:s29], [sflag:$0x2] =	stream.linear.gather [hbm4b:s10+s29], $0x2780, $0x38;
	[tilespmem:$0x1CC00] =	vst v63  }
0x37: {  	_ =	swait.ge [sflag:s15], $0x2780  }
0x38: {  	[sflag:s15] =	ssyncset.done $0x0  }
0x39: {  	[sflag:s15] =	ssyncadd.s32 $0xFFFFD880  }
0x3a: {  	[tilespmem:s16], [sflag:$0x2] =	stream.linear.gather [hbm4b:s11+s29], $0x2780, $0x38;
	[tilespmem:$0x1CC00] =	vst v63  }
0x3b: {  	_ =	swait.ge [sflag:s15], $0x2780  }
0x3c: {  	[sflag:s15] =	ssyncset.done $0x0  }
0x3d: {  	[sflag:s15] =	ssyncadd.s32 $0xFFFFD880  }
0x3e: {  	s30 =	simm.s32 $0x0;
	[bflag:$0x0] =	sbarrier.arrive $0xFFFF  }
0x3f: {  	[tilespmem:s14], [sflag:$0x1] =	stream.indirect.gather [hbm4b:s1+s17], $0x80, s30, s17, $0xb8;
	[tilespmem:$0x1CC00] =	vst v63  }
0x40: {  	_ =	swait.ge [sflag:s18], $0x4000  }
0x41: {  	[sflag:s18] =	ssyncset.done $0x0  }
0x42: {  	s31 =	simm.s32 $0x2800;
	[sflag:s18] =	ssyncadd.s32 $0xFFFFC000  }
0x43: {  	[spmem:s3] =	stream.indirect.scatter.add.f32 [tilespmem:s14], [sflag:$0x2], $0x80, s31, s17, $0xb8;
	[tilespmem:$0x1CC00] =	vst v63  }
0x44: {  	_ =	swait.ge [sflag:s15], $0x4000  }
0x45: {  	s21 =	simm.s32 $0x200;
	s22 =	simm.s32 $0x400;
	[sflag:s15] =	ssyncset.done $0x0  }
.LBB2_4:
0x46: {  	s23 =	sshra.s32 s21, $0x2  }
0x47: {  	[sflag:s15] =	ssyncadd.s32 $0xFFFFC000;
	s21 =	smov.u32 s22;
	s24 =	sadd.s32 $0x200, s22  }
0x48: {  	[tilespmem:s14], [sflag:$0x1] =	stream.indirect.gather [hbm4b:s1+s17], $0x80, s23, s17, $0xb8;
	[tilespmem:$0x1CC00] =	vst v63  }
0x49: {  	p0 =	sne.s32 s22, $0x9C00;
	_ =	swait.ge [sflag:s18], $0x4000  }
.Ltmp1:
0x4a: {  	[sflag:s18] =	ssyncset.done $0x0;
	(pc) =	sbr.rel @p0 .LBB2_4-.Ltmp1, $4  }
0x4b: {  	s22 =	sadd.s32 $0x2800, s23;
	[sflag:s18] =	ssyncadd.s32 $0xFFFFC000  }
0x4c: {  	[spmem:s3] =	stream.indirect.scatter.add.f32 [tilespmem:s14], [sflag:$0x2], $0x80, s22, s17, $0xb8;
	[tilespmem:$0x1CC00] =	vst v63  }
0x4d: {  	_ =	swait.ge [sflag:s15], $0x4000  }
0x4e: {  	s22 =	smov.u32 s24;
	[sflag:s15] =	ssyncset.done $0x0  }
0x4f: {  	s21 =	sshra.s32 s21, $0x2;
	[sflag:s15] =	ssyncadd.s32 $0xFFFFC000  }
0x50: {  	[tilespmem:s14], [sflag:$0x1] =	stream.indirect.gather [hbm4b:s1+s17], $0x80, s21, s17, $0xb8;
	[tilespmem:$0x1CC00] =	vst v63  }
0x51: {  	_ =	swait.ge [sflag:s18], $0x4000  }
0x52: {  	[sflag:s18] =	ssyncset.done $0x0  }
0x53: {  	s21 =	sadd.s32 $0x2800, s21;
	[sflag:s18] =	ssyncadd.s32 $0xFFFFC000  }
0x54: {  	[spmem:s3] =	stream.indirect.scatter.add.f32 [tilespmem:s14], [sflag:$0x2], $0x80, s21, s17, $0xb8;
	[tilespmem:$0x1CC00] =	vst v63  }
0x55: {  	_ =	swait.ge [sflag:s15], $0x4000  }
0x56: {  	s4 =	sadd.s32 $0x1, s4;
	[sflag:s15] =	ssyncset.done $0x0  }
0x57: {  	p0 =	sne.s32 s4, s13;
	[sflag:s15] =	ssyncadd.s32 $0xFFFFC000  }
.Ltmp2:
0x58: {  	[bflag:$0x0] =	sbarrier.arrive $0xFFFF;
	(pc) =	sbr.rel @p0 .LBB2_1-.Ltmp2, $4  }
0x59: {  	[hbm:s12], [sflag:s19] =	dma.local [spmem:s20], $0x2780  }
0x5a: {  	_ =	swait.ge [sflag:s15], $0x2780  }
0x5b: {  	[sflag:s15] =	ssyncset.done $0x0  }
0x5c: {  	[sflag:s15] =	ssyncadd.s32 $0xFFFFD880  }
0x5d: {  	_ =	sfence.sel $0x180000  }
0x5e: {  	[bflag:$0x0] =	sbarrier.arrive $0xFFFF  }
0x5f: {  	p0 =	sne.s32 s0, $0x0;
	_ =	strace $0x90000047  }
0x60: {  	s0 =	sadd.s32 @!p0 $0x100000, s2;
	[bflag:$0x2] =	sbarrier.arrive $0xFFFF  }
0x61: {  	[sflag:s0] =	ssyncadd.tile.s32 @!p0 $0x1;
	_ =	shalt  }
.Lfunc_end2:
_tile_overlayer_lowered:
.L_overlay_start_2:
0x62: {  	(tag) =	ssettag $0x2  }
0x63: {  	s0 =	rddreg [dreg:$0x0];
	s2 =	stileid.u32  }
0x64: {  	s1 =	rddreg [dreg:$0x1];
	p0 =	sne.s32 s2, $0x0  }
0x65: {  	s3 =	rddreg [dreg:$0x2];
	[bflag:$0x3] =	sbarrier.arrive $0xFFFF;
	s2 =	simm.s32 @!p0 $0x1C02  }
0x66: {  	[timem:s3], [sflag:s2] =	dma.local @!p0 [hbm:s0], s1  }
0x67: {  	s0 =	simm.s32 @!p0 $0x2  }
0x68: {  	_ =	swait.ge @!p0 [sflag:s0], s1  }
0x69: {  	s1 =	ssub.s32 @!p0 $0x0, s1;
	[sflag:s0] =	ssyncset.done @!p0 $0x0  }
0x6a: {  	[sflag:s0] =	ssyncadd.s32 @!p0 s1  }
0x6b: {  	[bflag:$0x3] =	sbarrier.arrive $0xFFFF  }
0x6c: {  	_ =	shalt  }

</sc_bundles>
